<compile_context>
chip_gen: v7x
topology: tpu7x:2x2x1
jax: 0.10.2.dev20260603
libtpu: 0.0.44.dev20260713+nightly
codegen_flags: <defaults>
</compile_context>

<pallas_src>
import functools

import jax
import jax.numpy as jnp
from jax import lax
from jax.experimental import pallas as pl
from jax.experimental.pallas import tpu as pltpu
from jax.experimental.pallas import tpu_sc as plsc

_B, _H, _W, _D = 8, 32, 32, 256
_L = 16


def _sc_body(col_hbm, row_hbm, out_hbm, rowv, chunk, sems):
    i = lax.axis_index("c") * 16 + lax.axis_index("s")
    pltpu.sync_copy(col_hbm.at[pl.ds(0, _W)], chunk.at[:, pl.ds(0, _D)])
    pltpu.sync_copy(row_hbm.at[i], rowv)

    def build_row(j, _):
        for k in range(_D // _L):
            chunk[j, pl.ds(_D + k * _L, _L)] = rowv[pl.ds(k * _L, _L)]
        return _

    lax.fori_loop(0, _W, build_row, 0)

    copies = [
        pltpu.async_copy(chunk, out_hbm.at[b, i], sems.at[b])
        for b in range(_B)
    ]
    for c in copies:
        c.wait()


_sc_pos = functools.partial(
    pl.kernel,
    mesh=plsc.VectorSubcoreMesh(
        core_axis_name="c", subcore_axis_name="s", num_cores=2
    ),
    out_type=jax.ShapeDtypeStruct((_B, _H, _W, 2 * _D), jnp.float32),
    scratch_types=[
        pltpu.VMEM((_D,), jnp.float32),
        pltpu.VMEM((_W, 2 * _D), jnp.float32),
        pltpu.SemaphoreType.DMA((_B,)),
    ],
)(_sc_body)


def kernel(x, row_embed, col_embed):
    out = _sc_pos(col_embed, row_embed)
    return jnp.transpose(out, (0, 3, 1, 2))

# --- scband reference (transcript-rebuilt; emitter-appended) ---
"""Pipeline reference for scband-position-embedding-learned-18949395710097 (READ-ONLY COPY).

The authoritative reference and input builder live on the scoring server;
editing this copy changes nothing except your own understanding.
"""

import jax, jax.numpy as jnp
import numpy as np

NUM_POS_FEATS = 256

def setup_inputs(seed: int = 0) -> dict:
    key = jax.random.key(seed)
    k1, k2, k3 = jax.random.split(key, 3)
    x = jax.random.normal(k1, (8, 768, 32, 32), dtype=jnp.float32)
    # nn.init.uniform_ -> U[0,1)
    row_embed = jax.random.uniform(k2, (50, NUM_POS_FEATS), dtype=jnp.float32)
    col_embed = jax.random.uniform(k3, (50, NUM_POS_FEATS), dtype=jnp.float32)
    return {"x": x, "row_embed": row_embed, "col_embed": col_embed}

def reference(x, row_embed, col_embed):
    h, w = x.shape[-2], x.shape[-1]
    i = jnp.arange(w)
    j = jnp.arange(h)
    # embedding lookups (gather)
    x_emb = jnp.take(col_embed, i, axis=0)  # [w, d]
    y_emb = jnp.take(row_embed, j, axis=0)  # [h, d]
    x_emb = jnp.tile(x_emb[None, :, :], (h, 1, 1))       # [h, w, d]
    y_emb = jnp.tile(y_emb[:, None, :], (1, w, 1))       # [h, w, d]
    pos = jnp.concatenate([x_emb, y_emb], axis=-1)        # [h, w, 2d]
    pos = jnp.transpose(pos, (2, 0, 1))[None, :, :, :]    # [1, 2d, h, w]
    pos = jnp.tile(pos, (x.shape[0], 1, 1, 1))            # [B, 2d, h, w]
    return pos

if __name__ == "__main__":
    import jax
    _d = setup_inputs()
    print(jax.jit(kernel)(*tuple(_d.values())))

</pallas_src>

<mosaic_0001>
#map = affine_map<(d0, d1) -> (0, 0)>
#map1 = affine_map<(d0, d1) -> (0, 0, 0, 0)>
module attributes {stable_mosaic.version = 14 : i64} {
  func.func @_sc_body(%arg0: i32, %arg1: i32, %arg2: memref<50x256xf32, #tpu.memory_space<hbm>>, %arg3: memref<50x256xf32, #tpu.memory_space<hbm>>, %arg4: memref<8x32x32x512xf32, #tpu.memory_space<hbm>>, %arg5: memref<256xf32, #tpu.memory_space<vmem>>, %arg6: memref<32x512xf32, #tpu.memory_space<vmem>>, %arg7: memref<8x!tpu.dma_semaphore, #tpu.memory_space<semaphore_mem>>) attributes {dimension_semantics = [#tpu.dimension_semantics<core_parallel>, #tpu.dimension_semantics<subcore_parallel>], iteration_bounds = array<i64: 2, 16>, scalar_prefetch = 0 : i64, scratch_operands = 3 : i64, tpu.core_type = #tpu.core_type<sc_vector_subcore>, window_params = [{transform_indices = #map}, {transform_indices = #map}, {transform_indices = #map1}]} {
    %mul3A = arith.constant 16 : i32
    %mul3A_0 = arith.muli %arg0, %mul3A : i32
    %add3A = arith.addi %mul3A_0, %arg1 : i32
    "tpu.region"() ({
      %run_scoped3A = tpu.sem_alloc : memref<!tpu.dma_semaphore, #tpu.memory_space<semaphore_mem>>
      %dma_start3A_196 = arith.constant 0 : i32
      %dma_start3A_197 = arith.constant 0 : i32
      %dma_start3A_198 = tpu.memref_slice %arg6[%dma_start3A_196, %dma_start3A_197] : memref<32x512xf32, #tpu.memory_space<vmem>> -> memref<32x256xf32, #tpu.memory_space<vmem>>
      %dma_start3A_199 = arith.constant 0 : i32
      %dma_start3A_200 = arith.constant 0 : i32
      %dma_start3A_201 = tpu.memref_slice %arg2[%dma_start3A_199, %dma_start3A_200] : memref<50x256xf32, #tpu.memory_space<hbm>> -> memref<32x256xf32, #tpu.memory_space<hbm>>
      %dma_start3A_202 = arith.constant 0 : i32
      %dma_start3A_203 = arith.constant 0 : i32
      %dma_start3A_204 = tpu.memref_slice %arg6[%dma_start3A_202, %dma_start3A_203] : memref<32x512xf32, #tpu.memory_space<vmem>> -> memref<32x256xf32, #tpu.memory_space<vmem>>
      %dma_start3A_205 = arith.constant 0 : i32
      %dma_start3A_206 = arith.constant 0 : i32
      %dma_start3A_207 = tpu.memref_slice %arg2[%dma_start3A_205, %dma_start3A_206] : memref<50x256xf32, #tpu.memory_space<hbm>> -> memref<32x256xf32, #tpu.memory_space<hbm>>
      tpu.enqueue_dma source(%dma_start3A_207 : memref<32x256xf32, #tpu.memory_space<hbm>>) target(%dma_start3A_204 : memref<32x256xf32, #tpu.memory_space<vmem>>) target_semaphore(%run_scoped3A : memref<!tpu.dma_semaphore, #tpu.memory_space<semaphore_mem>>)
      %dma_wait3A_208 = arith.constant 0 : i32
      %dma_wait3A_209 = arith.constant 0 : i32
      %dma_wait3A_210 = tpu.memref_slice %arg6[%dma_wait3A_208, %dma_wait3A_209] : memref<32x512xf32, #tpu.memory_space<vmem>> -> memref<32x256xf32, #tpu.memory_space<vmem>>
      %dma_wait3A_211 = arith.constant 0 : i32
      %dma_wait3A_212 = arith.constant 0 : i32
      %dma_wait3A_213 = tpu.memref_slice %arg2[%dma_wait3A_211, %dma_wait3A_212] : memref<50x256xf32, #tpu.memory_space<hbm>> -> memref<32x256xf32, #tpu.memory_space<hbm>>
      %dma_wait3A_214 = arith.constant 0 : i32
      %dma_wait3A_215 = arith.constant 0 : i32
      %dma_wait3A_216 = tpu.memref_slice %arg6[%dma_wait3A_214, %dma_wait3A_215] : memref<32x512xf32, #tpu.memory_space<vmem>> -> memref<32x256xf32, #tpu.memory_space<vmem>>
      %dma_wait3A_217 = arith.constant 0 : i32
      %dma_wait3A_218 = arith.constant 0 : i32
      %dma_wait3A_219 = tpu.memref_slice %arg2[%dma_wait3A_217, %dma_wait3A_218] : memref<50x256xf32, #tpu.memory_space<hbm>> -> memref<32x256xf32, #tpu.memory_space<hbm>>
      tpu.wait_dma2 semaphore(%run_scoped3A : memref<!tpu.dma_semaphore, #tpu.memory_space<semaphore_mem>>) src(%dma_wait3A_219 : memref<32x256xf32, #tpu.memory_space<hbm>>) dst(%dma_wait3A_216 : memref<32x256xf32, #tpu.memory_space<vmem>>)
      tpu.yield
    }) : () -> ()
    "tpu.region"() ({
      %run_scoped3A = tpu.sem_alloc : memref<!tpu.dma_semaphore, #tpu.memory_space<semaphore_mem>>
      %dma_start3A_196 = arith.constant 0 : i32
      %dma_start3A_197 = tpu.memref_slice %arg3[%add3A, %dma_start3A_196] : memref<50x256xf32, #tpu.memory_space<hbm>> -> memref<1x256xf32, #tpu.memory_space<hbm>>
      %dma_start3A_198 = tpu.memref_squeeze %dma_start3A_197 : memref<1x256xf32, #tpu.memory_space<hbm>> -> memref<256xf32, #tpu.memory_space<hbm>>
      %dma_start3A_199 = arith.constant 0 : i32
      %dma_start3A_200 = tpu.memref_slice %arg3[%add3A, %dma_start3A_199] : memref<50x256xf32, #tpu.memory_space<hbm>> -> memref<1x256xf32, #tpu.memory_space<hbm>>
      %dma_start3A_201 = tpu.memref_squeeze %dma_start3A_200 : memref<1x256xf32, #tpu.memory_space<hbm>> -> memref<256xf32, #tpu.memory_space<hbm>>
      tpu.enqueue_dma source(%dma_start3A_201 : memref<256xf32, #tpu.memory_space<hbm>>) target(%arg5 : memref<256xf32, #tpu.memory_space<vmem>>) target_semaphore(%run_scoped3A : memref<!tpu.dma_semaphore, #tpu.memory_space<semaphore_mem>>)
      %dma_wait3A_202 = arith.constant 0 : i32
      %dma_wait3A_203 = tpu.memref_slice %arg3[%add3A, %dma_wait3A_202] : memref<50x256xf32, #tpu.memory_space<hbm>> -> memref<1x256xf32, #tpu.memory_space<hbm>>
      %dma_wait3A_204 = tpu.memref_squeeze %dma_wait3A_203 : memref<1x256xf32, #tpu.memory_space<hbm>> -> memref<256xf32, #tpu.memory_space<hbm>>
      %dma_wait3A_205 = arith.constant 0 : i32
      %dma_wait3A_206 = tpu.memref_slice %arg3[%add3A, %dma_wait3A_205] : memref<50x256xf32, #tpu.memory_space<hbm>> -> memref<1x256xf32, #tpu.memory_space<hbm>>
      %dma_wait3A_207 = tpu.memref_squeeze %dma_wait3A_206 : memref<1x256xf32, #tpu.memory_space<hbm>> -> memref<256xf32, #tpu.memory_space<hbm>>
      tpu.wait_dma2 semaphore(%run_scoped3A : memref<!tpu.dma_semaphore, #tpu.memory_space<semaphore_mem>>) src(%dma_wait3A_207 : memref<256xf32, #tpu.memory_space<hbm>>) dst(%arg5 : memref<256xf32, #tpu.memory_space<vmem>>)
      tpu.yield
    }) : () -> ()
    %scan3A = arith.constant 0 : i32
    %scan3A_1 = arith.constant 0 : i32
    %scan3A_2 = arith.constant 32 : i32
    %scan3A_3 = arith.addi %scan3A_1, %scan3A_2 : i32
    %scan3A_4 = arith.constant 1 : i32
    scf.for %scan3A_196 = %scan3A_1 to %scan3A_3 step %scan3A_4  : i32 {
      %get3A = arith.constant 0 : index
      %get3A_197 = tpu.vector_load %arg5[%get3A] {strides = array<i32>} : memref<256xf32, #tpu.memory_space<vmem>>, vector<16xf32>,
      %get3A_198 = vector.shape_cast %get3A_197 : vector<16xf32> to vector<16xf32>
      %swap3A = arith.index_cast %scan3A_196 : i32 to index
      %swap3A_199 = arith.constant 256 : index
      %swap3A_200 = tpu.vector_load %arg6[%swap3A, %swap3A_199] {strides = array<i32>} : memref<32x512xf32, #tpu.memory_space<vmem>>, vector<1x16xf32>,
      %swap3A_201 = vector.shape_cast %swap3A_200 : vector<1x16xf32> to vector<16xf32>
      %swap3A_202 = vector.shape_cast %get3A_198 : vector<16xf32> to vector<1x16xf32>
      tpu.vector_store %arg6[%swap3A, %swap3A_199], %swap3A_202 {strides = array<i32>} : memref<32x512xf32, #tpu.memory_space<vmem>>, vector<1x16xf32>,
      %get3A_203 = arith.constant 16 : index
      %get3A_204 = tpu.vector_load %arg5[%get3A_203] {strides = array<i32>} : memref<256xf32, #tpu.memory_space<vmem>>, vector<16xf32>,
      %get3A_205 = vector.shape_cast %get3A_204 : vector<16xf32> to vector<16xf32>
      %swap3A_206 = arith.index_cast %scan3A_196 : i32 to index
      %swap3A_207 = arith.constant 272 : index
      %swap3A_208 = tpu.vector_load %arg6[%swap3A_206, %swap3A_207] {strides = array<i32>} : memref<32x512xf32, #tpu.memory_space<vmem>>, vector<1x16xf32>,
      %swap3A_209 = vector.shape_cast %swap3A_208 : vector<1x16xf32> to vector<16xf32>
      %swap3A_210 = vector.shape_cast %get3A_205 : vector<16xf32> to vector<1x16xf32>
      tpu.vector_store %arg6[%swap3A_206, %swap3A_207], %swap3A_210 {strides = array<i32>} : memref<32x512xf32, #tpu.memory_space<vmem>>, vector<1x16xf32>,
      %get3A_211 = arith.constant 32 : index
      %get3A_212 = tpu.vector_load %arg5[%get3A_211] {strides = array<i32>} : memref<256xf32, #tpu.memory_space<vmem>>, vector<16xf32>,
      %get3A_213 = vector.shape_cast %get3A_212 : vector<16xf32> to vector<16xf32>
      %swap3A_214 = arith.index_cast %scan3A_196 : i32 to index
      %swap3A_215 = arith.constant 288 : index
      %swap3A_216 = tpu.vector_load %arg6[%swap3A_214, %swap3A_215] {strides = array<i32>} : memref<32x512xf32, #tpu.memory_space<vmem>>, vector<1x16xf32>,
      %swap3A_217 = vector.shape_cast %swap3A_216 : vector<1x16xf32> to vector<16xf32>
      %swap3A_218 = vector.shape_cast %get3A_213 : vector<16xf32> to vector<1x16xf32>
      tpu.vector_store %arg6[%swap3A_214, %swap3A_215], %swap3A_218 {strides = array<i32>} : memref<32x512xf32, #tpu.memory_space<vmem>>, vector<1x16xf32>,
      %get3A_219 = arith.constant 48 : index
      %get3A_220 = tpu.vector_load %arg5[%get3A_219] {strides = array<i32>} : memref<256xf32, #tpu.memory_space<vmem>>, vector<16xf32>,
      %get3A_221 = vector.shape_cast %get3A_220 : vector<16xf32> to vector<16xf32>
      %swap3A_222 = arith.index_cast %scan3A_196 : i32 to index
      %swap3A_223 = arith.constant 304 : index
      %swap3A_224 = tpu.vector_load %arg6[%swap3A_222, %swap3A_223] {strides = array<i32>} : memref<32x512xf32, #tpu.memory_space<vmem>>, vector<1x16xf32>,
      %swap3A_225 = vector.shape_cast %swap3A_224 : vector<1x16xf32> to vector<16xf32>
      %swap3A_226 = vector.shape_cast %get3A_221 : vector<16xf32> to vector<1x16xf32>
      tpu.vector_store %arg6[%swap3A_222, %swap3A_223], %swap3A_226 {strides = array<i32>} : memref<32x512xf32, #tpu.memory_space<vmem>>, vector<1x16xf32>,
      %get3A_227 = arith.constant 64 : index
      %get3A_228 = tpu.vector_load %arg5[%get3A_227] {strides = array<i32>} : memref<256xf32, #tpu.memory_space<vmem>>, vector<16xf32>,
      %get3A_229 = vector.shape_cast %get3A_228 : vector<16xf32> to vector<16xf32>
      %swap3A_230 = arith.index_cast %scan3A_196 : i32 to index
      %swap3A_231 = arith.constant 320 : index
      %swap3A_232 = tpu.vector_load %arg6[%swap3A_230, %swap3A_231] {strides = array<i32>} : memref<32x512xf32, #tpu.memory_space<vmem>>, vector<1x16xf32>,
      %swap3A_233 = vector.shape_cast %swap3A_232 : vector<1x16xf32> to vector<16xf32>
      %swap3A_234 = vector.shape_cast %get3A_229 : vector<16xf32> to vector<1x16xf32>
      tpu.vector_store %arg6[%swap3A_230, %swap3A_231], %swap3A_234 {strides = array<i32>} : memref<32x512xf32, #tpu.memory_space<vmem>>, vector<1x16xf32>,
      %get3A_235 = arith.constant 80 : index
      %get3A_236 = tpu.vector_load %arg5[%get3A_235] {strides = array<i32>} : memref<256xf32, #tpu.memory_space<vmem>>, vector<16xf32>,
      %get3A_237 = vector.shape_cast %get3A_236 : vector<16xf32> to vector<16xf32>
      %swap3A_238 = arith.index_cast %scan3A_196 : i32 to index
      %swap3A_239 = arith.constant 336 : index
      %swap3A_240 = tpu.vector_load %arg6[%swap3A_238, %swap3A_239] {strides = array<i32>} : memref<32x512xf32, #tpu.memory_space<vmem>>, vector<1x16xf32>,
      %swap3A_241 = vector.shape_cast %swap3A_240 : vector<1x16xf32> to vector<16xf32>
      %swap3A_242 = vector.shape_cast %get3A_237 : vector<16xf32> to vector<1x16xf32>
      tpu.vector_store %arg6[%swap3A_238, %swap3A_239], %swap3A_242 {strides = array<i32>} : memref<32x512xf32, #tpu.memory_space<vmem>>, vector<1x16xf32>,
      %get3A_243 = arith.constant 96 : index
      %get3A_244 = tpu.vector_load %arg5[%get3A_243] {strides = array<i32>} : memref<256xf32, #tpu.memory_space<vmem>>, vector<16xf32>,
      %get3A_245 = vector.shape_cast %get3A_244 : vector<16xf32> to vector<16xf32>
      %swap3A_246 = arith.index_cast %scan3A_196 : i32 to index
      %swap3A_247 = arith.constant 352 : index
      %swap3A_248 = tpu.vector_load %arg6[%swap3A_246, %swap3A_247] {strides = array<i32>} : memref<32x512xf32, #tpu.memory_space<vmem>>, vector<1x16xf32>,
      %swap3A_249 = vector.shape_cast %swap3A_248 : vector<1x16xf32> to vector<16xf32>
      %swap3A_250 = vector.shape_cast %get3A_245 : vector<16xf32> to vector<1x16xf32>
      tpu.vector_store %arg6[%swap3A_246, %swap3A_247], %swap3A_250 {strides = array<i32>} : memref<32x512xf32, #tpu.memory_space<vmem>>, vector<1x16xf32>,
      %get3A_251 = arith.constant 112 : index
      %get3A_252 = tpu.vector_load %arg5[%get3A_251] {strides = array<i32>} : memref<256xf32, #tpu.memory_space<vmem>>, vector<16xf32>,
      %get3A_253 = vector.shape_cast %get3A_252 : vector<16xf32> to vector<16xf32>
      %swap3A_254 = arith.index_cast %scan3A_196 : i32 to index
      %swap3A_255 = arith.constant 368 : index
      %swap3A_256 = tpu.vector_load %arg6[%swap3A_254, %swap3A_255] {strides = array<i32>} : memref<32x512xf32, #tpu.memory_space<vmem>>, vector<1x16xf32>,
      %swap3A_257 = vector.shape_cast %swap3A_256 : vector<1x16xf32> to vector<16xf32>
      %swap3A_258 = vector.shape_cast %get3A_253 : vector<16xf32> to vector<1x16xf32>
      tpu.vector_store %arg6[%swap3A_254, %swap3A_255], %swap3A_258 {strides = array<i32>} : memref<32x512xf32, #tpu.memory_space<vmem>>, vector<1x16xf32>,
      %get3A_259 = arith.constant 128 : index
      %get3A_260 = tpu.vector_load %arg5[%get3A_259] {strides = array<i32>} : memref<256xf32, #tpu.memory_space<vmem>>, vector<16xf32>,
      %get3A_261 = vector.shape_cast %get3A_260 : vector<16xf32> to vector<16xf32>
      %swap3A_262 = arith.index_cast %scan3A_196 : i32 to index
      %swap3A_263 = arith.constant 384 : index
      %swap3A_264 = tpu.vector_load %arg6[%swap3A_262, %swap3A_263] {strides = array<i32>} : memref<32x512xf32, #tpu.memory_space<vmem>>, vector<1x16xf32>,
      %swap3A_265 = vector.shape_cast %swap3A_264 : vector<1x16xf32> to vector<16xf32>
      %swap3A_266 = vector.shape_cast %get3A_261 : vector<16xf32> to vector<1x16xf32>
      tpu.vector_store %arg6[%swap3A_262, %swap3A_263], %swap3A_266 {strides = array<i32>} : memref<32x512xf32, #tpu.memory_space<vmem>>, vector<1x16xf32>,
      %get3A_267 = arith.constant 144 : index
      %get3A_268 = tpu.vector_load %arg5[%get3A_267] {strides = array<i32>} : memref<256xf32, #tpu.memory_space<vmem>>, vector<16xf32>,
      %get3A_269 = vector.shape_cast %get3A_268 : vector<16xf32> to vector<16xf32>
      %swap3A_270 = arith.index_cast %scan3A_196 : i32 to index
      %swap3A_271 = arith.constant 400 : index
      %swap3A_272 = tpu.vector_load %arg6[%swap3A_270, %swap3A_271] {strides = array<i32>} : memref<32x512xf32, #tpu.memory_space<vmem>>, vector<1x16xf32>,
      %swap3A_273 = vector.shape_cast %swap3A_272 : vector<1x16xf32> to vector<16xf32>
      %swap3A_274 = vector.shape_cast %get3A_269 : vector<16xf32> to vector<1x16xf32>
      tpu.vector_store %arg6[%swap3A_270, %swap3A_271], %swap3A_274 {strides = array<i32>} : memref<32x512xf32, #tpu.memory_space<vmem>>, vector<1x16xf32>,
      %get3A_275 = arith.constant 160 : index
      %get3A_276 = tpu.vector_load %arg5[%get3A_275] {strides = array<i32>} : memref<256xf32, #tpu.memory_space<vmem>>, vector<16xf32>,
      %get3A_277 = vector.shape_cast %get3A_276 : vector<16xf32> to vector<16xf32>
      %swap3A_278 = arith.index_cast %scan3A_196 : i32 to index
      %swap3A_279 = arith.constant 416 : index
      %swap3A_280 = tpu.vector_load %arg6[%swap3A_278, %swap3A_279] {strides = array<i32>} : memref<32x512xf32, #tpu.memory_space<vmem>>, vector<1x16xf32>,
      %swap3A_281 = vector.shape_cast %swap3A_280 : vector<1x16xf32> to vector<16xf32>
      %swap3A_282 = vector.shape_cast %get3A_277 : vector<16xf32> to vector<1x16xf32>
      tpu.vector_store %arg6[%swap3A_278, %swap3A_279], %swap3A_282 {strides = array<i32>} : memref<32x512xf32, #tpu.memory_space<vmem>>, vector<1x16xf32>,
      %get3A_283 = arith.constant 176 : index
      %get3A_284 = tpu.vector_load %arg5[%get3A_283] {strides = array<i32>} : memref<256xf32, #tpu.memory_space<vmem>>, vector<16xf32>,
      %get3A_285 = vector.shape_cast %get3A_284 : vector<16xf32> to vector<16xf32>
      %swap3A_286 = arith.index_cast %scan3A_196 : i32 to index
      %swap3A_287 = arith.constant 432 : index
      %swap3A_288 = tpu.vector_load %arg6[%swap3A_286, %swap3A_287] {strides = array<i32>} : memref<32x512xf32, #tpu.memory_space<vmem>>, vector<1x16xf32>,
      %swap3A_289 = vector.shape_cast %swap3A_288 : vector<1x16xf32> to vector<16xf32>
      %swap3A_290 = vector.shape_cast %get3A_285 : vector<16xf32> to vector<1x16xf32>
      tpu.vector_store %arg6[%swap3A_286, %swap3A_287], %swap3A_290 {strides = array<i32>} : memref<32x512xf32, #tpu.memory_space<vmem>>, vector<1x16xf32>,
      %get3A_291 = arith.constant 192 : index
      %get3A_292 = tpu.vector_load %arg5[%get3A_291] {strides = array<i32>} : memref<256xf32, #tpu.memory_space<vmem>>, vector<16xf32>,
      %get3A_293 = vector.shape_cast %get3A_292 : vector<16xf32> to vector<16xf32>
      %swap3A_294 = arith.index_cast %scan3A_196 : i32 to index
      %swap3A_295 = arith.constant 448 : index
      %swap3A_296 = tpu.vector_load %arg6[%swap3A_294, %swap3A_295] {strides = array<i32>} : memref<32x512xf32, #tpu.memory_space<vmem>>, vector<1x16xf32>,
      %swap3A_297 = vector.shape_cast %swap3A_296 : vector<1x16xf32> to vector<16xf32>
      %swap3A_298 = vector.shape_cast %get3A_293 : vector<16xf32> to vector<1x16xf32>
      tpu.vector_store %arg6[%swap3A_294, %swap3A_295], %swap3A_298 {strides = array<i32>} : memref<32x512xf32, #tpu.memory_space<vmem>>, vector<1x16xf32>,
      %get3A_299 = arith.constant 208 : index
      %get3A_300 = tpu.vector_load %arg5[%get3A_299] {strides = array<i32>} : memref<256xf32, #tpu.memory_space<vmem>>, vector<16xf32>,
      %get3A_301 = vector.shape_cast %get3A_300 : vector<16xf32> to vector<16xf32>
      %swap3A_302 = arith.index_cast %scan3A_196 : i32 to index
      %swap3A_303 = arith.constant 464 : index
      %swap3A_304 = tpu.vector_load %arg6[%swap3A_302, %swap3A_303] {strides = array<i32>} : memref<32x512xf32, #tpu.memory_space<vmem>>, vector<1x16xf32>,
      %swap3A_305 = vector.shape_cast %swap3A_304 : vector<1x16xf32> to vector<16xf32>
      %swap3A_306 = vector.shape_cast %get3A_301 : vector<16xf32> to vector<1x16xf32>
      tpu.vector_store %arg6[%swap3A_302, %swap3A_303], %swap3A_306 {strides = array<i32>} : memref<32x512xf32, #tpu.memory_space<vmem>>, vector<1x16xf32>,
      %get3A_307 = arith.constant 224 : index
      %get3A_308 = tpu.vector_load %arg5[%get3A_307] {strides = array<i32>} : memref<256xf32, #tpu.memory_space<vmem>>, vector<16xf32>,
      %get3A_309 = vector.shape_cast %get3A_308 : vector<16xf32> to vector<16xf32>
      %swap3A_310 = arith.index_cast %scan3A_196 : i32 to index
      %swap3A_311 = arith.constant 480 : index
      %swap3A_312 = tpu.vector_load %arg6[%swap3A_310, %swap3A_311] {strides = array<i32>} : memref<32x512xf32, #tpu.memory_space<vmem>>, vector<1x16xf32>,
      %swap3A_313 = vector.shape_cast %swap3A_312 : vector<1x16xf32> to vector<16xf32>
      %swap3A_314 = vector.shape_cast %get3A_309 : vector<16xf32> to vector<1x16xf32>
      tpu.vector_store %arg6[%swap3A_310, %swap3A_311], %swap3A_314 {strides = array<i32>} : memref<32x512xf32, #tpu.memory_space<vmem>>, vector<1x16xf32>,
      %get3A_315 = arith.constant 240 : index
      %get3A_316 = tpu.vector_load %arg5[%get3A_315] {strides = array<i32>} : memref<256xf32, #tpu.memory_space<vmem>>, vector<16xf32>,
      %get3A_317 = vector.shape_cast %get3A_316 : vector<16xf32> to vector<16xf32>
      %swap3A_318 = arith.index_cast %scan3A_196 : i32 to index
      %swap3A_319 = arith.constant 496 : index
      %swap3A_320 = tpu.vector_load %arg6[%swap3A_318, %swap3A_319] {strides = array<i32>} : memref<32x512xf32, #tpu.memory_space<vmem>>, vector<1x16xf32>,
      %swap3A_321 = vector.shape_cast %swap3A_320 : vector<1x16xf32> to vector<16xf32>
      %swap3A_322 = vector.shape_cast %get3A_317 : vector<16xf32> to vector<1x16xf32>
      tpu.vector_store %arg6[%swap3A_318, %swap3A_319], %swap3A_322 {strides = array<i32>} : memref<32x512xf32, #tpu.memory_space<vmem>>, vector<1x16xf32>,
    }
    %scan3A_5 = arith.constant 32 : i32
    %dma_start3A = arith.constant 0 : i32
    %dma_start3A_6 = arith.constant 0 : i32
    %dma_start3A_7 = arith.constant 0 : i32
    %dma_start3A_8 = arith.constant 0 : i32
    %dma_start3A_9 = tpu.memref_slice %arg4[%dma_start3A, %add3A, %dma_start3A_7, %dma_start3A_8] : memref<8x32x32x512xf32, #tpu.memory_space<hbm>> -> memref<1x1x32x512xf32, #tpu.memory_space<hbm>>
    %dma_start3A_10 = tpu.memref_squeeze %dma_start3A_9 : memref<1x1x32x512xf32, #tpu.memory_space<hbm>> -> memref<32x512xf32, #tpu.memory_space<hbm>>
    %dma_start3A_11 = tpu.memref_slice %arg7[%dma_start3A_6] : memref<8x!tpu.dma_semaphore, #tpu.memory_space<semaphore_mem>> -> memref<1x!tpu.dma_semaphore, #tpu.memory_space<semaphore_mem>>
    %dma_start3A_12 = tpu.memref_squeeze %dma_start3A_11 : memref<1x!tpu.dma_semaphore, #tpu.memory_space<semaphore_mem>> -> memref<!tpu.dma_semaphore, #tpu.memory_space<semaphore_mem>>
    %dma_start3A_13 = arith.constant 0 : i32
    %dma_start3A_14 = arith.constant 0 : i32
    %dma_start3A_15 = tpu.memref_slice %arg4[%dma_start3A, %add3A, %dma_start3A_13, %dma_start3A_14] : memref<8x32x32x512xf32, #tpu.memory_space<hbm>> -> memref<1x1x32x512xf32, #tpu.memory_space<hbm>>
    %dma_start3A_16 = tpu.memref_squeeze %dma_start3A_15 : memref<1x1x32x512xf32, #tpu.memory_space<hbm>> -> memref<32x512xf32, #tpu.memory_space<hbm>>
    tpu.enqueue_dma source(%arg6 : memref<32x512xf32, #tpu.memory_space<vmem>>) target(%dma_start3A_16 : memref<32x512xf32, #tpu.memory_space<hbm>>) target_semaphore(%dma_start3A_12 : memref<!tpu.dma_semaphore, #tpu.memory_space<semaphore_mem>>)
    %dma_start3A_17 = arith.constant 1 : i32
    %dma_start3A_18 = arith.constant 1 : i32
    %dma_start3A_19 = arith.constant 0 : i32
    %dma_start3A_20 = arith.constant 0 : i32
    %dma_start3A_21 = tpu.memref_slice %arg4[%dma_start3A_17, %add3A, %dma_start3A_19, %dma_start3A_20] : memref<8x32x32x512xf32, #tpu.memory_space<hbm>> -> memref<1x1x32x512xf32, #tpu.memory_space<hbm>>
    %dma_start3A_22 = tpu.memref_squeeze %dma_start3A_21 : memref<1x1x32x512xf32, #tpu.memory_space<hbm>> -> memref<32x512xf32, #tpu.memory_space<hbm>>
    %dma_start3A_23 = tpu.memref_slice %arg7[%dma_start3A_18] : memref<8x!tpu.dma_semaphore, #tpu.memory_space<semaphore_mem>> -> memref<1x!tpu.dma_semaphore, #tpu.memory_space<semaphore_mem>>
    %dma_start3A_24 = tpu.memref_squeeze %dma_start3A_23 : memref<1x!tpu.dma_semaphore, #tpu.memory_space<semaphore_mem>> -> memref<!tpu.dma_semaphore, #tpu.memory_space<semaphore_mem>>
    %dma_start3A_25 = arith.constant 0 : i32
    %dma_start3A_26 = arith.constant 0 : i32
    %dma_start3A_27 = tpu.memref_slice %arg4[%dma_start3A_17, %add3A, %dma_start3A_25, %dma_start3A_26] : memref<8x32x32x512xf32, #tpu.memory_space<hbm>> -> memref<1x1x32x512xf32, #tpu.memory_space<hbm>>
    %dma_start3A_28 = tpu.memref_squeeze %dma_start3A_27 : memref<1x1x32x512xf32, #tpu.memory_space<hbm>> -> memref<32x512xf32, #tpu.memory_space<hbm>>
    tpu.enqueue_dma source(%arg6 : memref<32x512xf32, #tpu.memory_space<vmem>>) target(%dma_start3A_28 : memref<32x512xf32, #tpu.memory_space<hbm>>) target_semaphore(%dma_start3A_24 : memref<!tpu.dma_semaphore, #tpu.memory_space<semaphore_mem>>)
    %dma_start3A_29 = arith.constant 2 : i32
    %dma_start3A_30 = arith.constant 2 : i32
    %dma_start3A_31 = arith.constant 0 : i32
    %dma_start3A_32 = arith.constant 0 : i32
    %dma_start3A_33 = tpu.memref_slice %arg4[%dma_start3A_29, %add3A, %dma_start3A_31, %dma_start3A_32] : memref<8x32x32x512xf32, #tpu.memory_space<hbm>> -> memref<1x1x32x512xf32, #tpu.memory_space<hbm>>
    %dma_start3A_34 = tpu.memref_squeeze %dma_start3A_33 : memref<1x1x32x512xf32, #tpu.memory_space<hbm>> -> memref<32x512xf32, #tpu.memory_space<hbm>>
    %dma_start3A_35 = tpu.memref_slice %arg7[%dma_start3A_30] : memref<8x!tpu.dma_semaphore, #tpu.memory_space<semaphore_mem>> -> memref<1x!tpu.dma_semaphore, #tpu.memory_space<semaphore_mem>>
    %dma_start3A_36 = tpu.memref_squeeze %dma_start3A_35 : memref<1x!tpu.dma_semaphore, #tpu.memory_space<semaphore_mem>> -> memref<!tpu.dma_semaphore, #tpu.memory_space<semaphore_mem>>
    %dma_start3A_37 = arith.constant 0 : i32
    %dma_start3A_38 = arith.constant 0 : i32
    %dma_start3A_39 = tpu.memref_slice %arg4[%dma_start3A_29, %add3A, %dma_start3A_37, %dma_start3A_38] : memref<8x32x32x512xf32, #tpu.memory_space<hbm>> -> memref<1x1x32x512xf32, #tpu.memory_space<hbm>>
    %dma_start3A_40 = tpu.memref_squeeze %dma_start3A_39 : memref<1x1x32x512xf32, #tpu.memory_space<hbm>> -> memref<32x512xf32, #tpu.memory_space<hbm>>
    tpu.enqueue_dma source(%arg6 : memref<32x512xf32, #tpu.memory_space<vmem>>) target(%dma_start3A_40 : memref<32x512xf32, #tpu.memory_space<hbm>>) target_semaphore(%dma_start3A_36 : memref<!tpu.dma_semaphore, #tpu.memory_space<semaphore_mem>>)
    %dma_start3A_41 = arith.constant 3 : i32
    %dma_start3A_42 = arith.constant 3 : i32
    %dma_start3A_43 = arith.constant 0 : i32
    %dma_start3A_44 = arith.constant 0 : i32
    %dma_start3A_45 = tpu.memref_slice %arg4[%dma_start3A_41, %add3A, %dma_start3A_43, %dma_start3A_44] : memref<8x32x32x512xf32, #tpu.memory_space<hbm>> -> memref<1x1x32x512xf32, #tpu.memory_space<hbm>>
    %dma_start3A_46 = tpu.memref_squeeze %dma_start3A_45 : memref<1x1x32x512xf32, #tpu.memory_space<hbm>> -> memref<32x512xf32, #tpu.memory_space<hbm>>
    %dma_start3A_47 = tpu.memref_slice %arg7[%dma_start3A_42] : memref<8x!tpu.dma_semaphore, #tpu.memory_space<semaphore_mem>> -> memref<1x!tpu.dma_semaphore, #tpu.memory_space<semaphore_mem>>
    %dma_start3A_48 = tpu.memref_squeeze %dma_start3A_47 : memref<1x!tpu.dma_semaphore, #tpu.memory_space<semaphore_mem>> -> memref<!tpu.dma_semaphore, #tpu.memory_space<semaphore_mem>>
    %dma_start3A_49 = arith.constant 0 : i32
    %dma_start3A_50 = arith.constant 0 : i32
    %dma_start3A_51 = tpu.memref_slice %arg4[%dma_start3A_41, %add3A, %dma_start3A_49, %dma_start3A_50] : memref<8x32x32x512xf32, #tpu.memory_space<hbm>> -> memref<1x1x32x512xf32, #tpu.memory_space<hbm>>
    %dma_start3A_52 = tpu.memref_squeeze %dma_start3A_51 : memref<1x1x32x512xf32, #tpu.memory_space<hbm>> -> memref<32x512xf32, #tpu.memory_space<hbm>>
    tpu.enqueue_dma source(%arg6 : memref<32x512xf32, #tpu.memory_space<vmem>>) target(%dma_start3A_52 : memref<32x512xf32, #tpu.memory_space<hbm>>) target_semaphore(%dma_start3A_48 : memref<!tpu.dma_semaphore, #tpu.memory_space<semaphore_mem>>)
    %dma_start3A_53 = arith.constant 4 : i32
    %dma_start3A_54 = arith.constant 4 : i32
    %dma_start3A_55 = arith.constant 0 : i32
    %dma_start3A_56 = arith.constant 0 : i32
    %dma_start3A_57 = tpu.memref_slice %arg4[%dma_start3A_53, %add3A, %dma_start3A_55, %dma_start3A_56] : memref<8x32x32x512xf32, #tpu.memory_space<hbm>> -> memref<1x1x32x512xf32, #tpu.memory_space<hbm>>
    %dma_start3A_58 = tpu.memref_squeeze %dma_start3A_57 : memref<1x1x32x512xf32, #tpu.memory_space<hbm>> -> memref<32x512xf32, #tpu.memory_space<hbm>>
    %dma_start3A_59 = tpu.memref_slice %arg7[%dma_start3A_54] : memref<8x!tpu.dma_semaphore, #tpu.memory_space<semaphore_mem>> -> memref<1x!tpu.dma_semaphore, #tpu.memory_space<semaphore_mem>>
    %dma_start3A_60 = tpu.memref_squeeze %dma_start3A_59 : memref<1x!tpu.dma_semaphore, #tpu.memory_space<semaphore_mem>> -> memref<!tpu.dma_semaphore, #tpu.memory_space<semaphore_mem>>
    %dma_start3A_61 = arith.constant 0 : i32
    %dma_start3A_62 = arith.constant 0 : i32
    %dma_start3A_63 = tpu.memref_slice %arg4[%dma_start3A_53, %add3A, %dma_start3A_61, %dma_start3A_62] : memref<8x32x32x512xf32, #tpu.memory_space<hbm>> -> memref<1x1x32x512xf32, #tpu.memory_space<hbm>>
    %dma_start3A_64 = tpu.memref_squeeze %dma_start3A_63 : memref<1x1x32x512xf32, #tpu.memory_space<hbm>> -> memref<32x512xf32, #tpu.memory_space<hbm>>
    tpu.enqueue_dma source(%arg6 : memref<32x512xf32, #tpu.memory_space<vmem>>) target(%dma_start3A_64 : memref<32x512xf32, #tpu.memory_space<hbm>>) target_semaphore(%dma_start3A_60 : memref<!tpu.dma_semaphore, #tpu.memory_space<semaphore_mem>>)
    %dma_start3A_65 = arith.constant 5 : i32
    %dma_start3A_66 = arith.constant 5 : i32
    %dma_start3A_67 = arith.constant 0 : i32
    %dma_start3A_68 = arith.constant 0 : i32
    %dma_start3A_69 = tpu.memref_slice %arg4[%dma_start3A_65, %add3A, %dma_start3A_67, %dma_start3A_68] : memref<8x32x32x512xf32, #tpu.memory_space<hbm>> -> memref<1x1x32x512xf32, #tpu.memory_space<hbm>>
    %dma_start3A_70 = tpu.memref_squeeze %dma_start3A_69 : memref<1x1x32x512xf32, #tpu.memory_space<hbm>> -> memref<32x512xf32, #tpu.memory_space<hbm>>
    %dma_start3A_71 = tpu.memref_slice %arg7[%dma_start3A_66] : memref<8x!tpu.dma_semaphore, #tpu.memory_space<semaphore_mem>> -> memref<1x!tpu.dma_semaphore, #tpu.memory_space<semaphore_mem>>
    %dma_start3A_72 = tpu.memref_squeeze %dma_start3A_71 : memref<1x!tpu.dma_semaphore, #tpu.memory_space<semaphore_mem>> -> memref<!tpu.dma_semaphore, #tpu.memory_space<semaphore_mem>>
    %dma_start3A_73 = arith.constant 0 : i32
    %dma_start3A_74 = arith.constant 0 : i32
    %dma_start3A_75 = tpu.memref_slice %arg4[%dma_start3A_65, %add3A, %dma_start3A_73, %dma_start3A_74] : memref<8x32x32x512xf32, #tpu.memory_space<hbm>> -> memref<1x1x32x512xf32, #tpu.memory_space<hbm>>
    %dma_start3A_76 = tpu.memref_squeeze %dma_start3A_75 : memref<1x1x32x512xf32, #tpu.memory_space<hbm>> -> memref<32x512xf32, #tpu.memory_space<hbm>>
    tpu.enqueue_dma source(%arg6 : memref<32x512xf32, #tpu.memory_space<vmem>>) target(%dma_start3A_76 : memref<32x512xf32, #tpu.memory_space<hbm>>) target_semaphore(%dma_start3A_72 : memref<!tpu.dma_semaphore, #tpu.memory_space<semaphore_mem>>)
    %dma_start3A_77 = arith.constant 6 : i32
    %dma_start3A_78 = arith.constant 6 : i32
    %dma_start3A_79 = arith.constant 0 : i32
    %dma_start3A_80 = arith.constant 0 : i32
    %dma_start3A_81 = tpu.memref_slice %arg4[%dma_start3A_77, %add3A, %dma_start3A_79, %dma_start3A_80] : memref<8x32x32x512xf32, #tpu.memory_space<hbm>> -> memref<1x1x32x512xf32, #tpu.memory_space<hbm>>
    %dma_start3A_82 = tpu.memref_squeeze %dma_start3A_81 : memref<1x1x32x512xf32, #tpu.memory_space<hbm>> -> memref<32x512xf32, #tpu.memory_space<hbm>>
    %dma_start3A_83 = tpu.memref_slice %arg7[%dma_start3A_78] : memref<8x!tpu.dma_semaphore, #tpu.memory_space<semaphore_mem>> -> memref<1x!tpu.dma_semaphore, #tpu.memory_space<semaphore_mem>>
    %dma_start3A_84 = tpu.memref_squeeze %dma_start3A_83 : memref<1x!tpu.dma_semaphore, #tpu.memory_space<semaphore_mem>> -> memref<!tpu.dma_semaphore, #tpu.memory_space<semaphore_mem>>
    %dma_start3A_85 = arith.constant 0 : i32
    %dma_start3A_86 = arith.constant 0 : i32
    %dma_start3A_87 = tpu.memref_slice %arg4[%dma_start3A_77, %add3A, %dma_start3A_85, %dma_start3A_86] : memref<8x32x32x512xf32, #tpu.memory_space<hbm>> -> memref<1x1x32x512xf32, #tpu.memory_space<hbm>>
    %dma_start3A_88 = tpu.memref_squeeze %dma_start3A_87 : memref<1x1x32x512xf32, #tpu.memory_space<hbm>> -> memref<32x512xf32, #tpu.memory_space<hbm>>
    tpu.enqueue_dma source(%arg6 : memref<32x512xf32, #tpu.memory_space<vmem>>) target(%dma_start3A_88 : memref<32x512xf32, #tpu.memory_space<hbm>>) target_semaphore(%dma_start3A_84 : memref<!tpu.dma_semaphore, #tpu.memory_space<semaphore_mem>>)
    %dma_start3A_89 = arith.constant 7 : i32
    %dma_start3A_90 = arith.constant 7 : i32
    %dma_start3A_91 = arith.constant 0 : i32
    %dma_start3A_92 = arith.constant 0 : i32
    %dma_start3A_93 = tpu.memref_slice %arg4[%dma_start3A_89, %add3A, %dma_start3A_91, %dma_start3A_92] : memref<8x32x32x512xf32, #tpu.memory_space<hbm>> -> memref<1x1x32x512xf32, #tpu.memory_space<hbm>>
    %dma_start3A_94 = tpu.memref_squeeze %dma_start3A_93 : memref<1x1x32x512xf32, #tpu.memory_space<hbm>> -> memref<32x512xf32, #tpu.memory_space<hbm>>
    %dma_start3A_95 = tpu.memref_slice %arg7[%dma_start3A_90] : memref<8x!tpu.dma_semaphore, #tpu.memory_space<semaphore_mem>> -> memref<1x!tpu.dma_semaphore, #tpu.memory_space<semaphore_mem>>
    %dma_start3A_96 = tpu.memref_squeeze %dma_start3A_95 : memref<1x!tpu.dma_semaphore, #tpu.memory_space<semaphore_mem>> -> memref<!tpu.dma_semaphore, #tpu.memory_space<semaphore_mem>>
    %dma_start3A_97 = arith.constant 0 : i32
    %dma_start3A_98 = arith.constant 0 : i32
    %dma_start3A_99 = tpu.memref_slice %arg4[%dma_start3A_89, %add3A, %dma_start3A_97, %dma_start3A_98] : memref<8x32x32x512xf32, #tpu.memory_space<hbm>> -> memref<1x1x32x512xf32, #tpu.memory_space<hbm>>
    %dma_start3A_100 = tpu.memref_squeeze %dma_start3A_99 : memref<1x1x32x512xf32, #tpu.memory_space<hbm>> -> memref<32x512xf32, #tpu.memory_space<hbm>>
    tpu.enqueue_dma source(%arg6 : memref<32x512xf32, #tpu.memory_space<vmem>>) target(%dma_start3A_100 : memref<32x512xf32, #tpu.memory_space<hbm>>) target_semaphore(%dma_start3A_96 : memref<!tpu.dma_semaphore, #tpu.memory_space<semaphore_mem>>)
    %dma_wait3A = arith.constant 0 : i32
    %dma_wait3A_101 = arith.constant 0 : i32
    %dma_wait3A_102 = arith.constant 0 : i32
    %dma_wait3A_103 = arith.constant 0 : i32
    %dma_wait3A_104 = tpu.memref_slice %arg4[%dma_wait3A, %add3A, %dma_wait3A_102, %dma_wait3A_103] : memref<8x32x32x512xf32, #tpu.memory_space<hbm>> -> memref<1x1x32x512xf32, #tpu.memory_space<hbm>>
    %dma_wait3A_105 = tpu.memref_squeeze %dma_wait3A_104 : memref<1x1x32x512xf32, #tpu.memory_space<hbm>> -> memref<32x512xf32, #tpu.memory_space<hbm>>
    %dma_wait3A_106 = tpu.memref_slice %arg7[%dma_wait3A_101] : memref<8x!tpu.dma_semaphore, #tpu.memory_space<semaphore_mem>> -> memref<1x!tpu.dma_semaphore, #tpu.memory_space<semaphore_mem>>
    %dma_wait3A_107 = tpu.memref_squeeze %dma_wait3A_106 : memref<1x!tpu.dma_semaphore, #tpu.memory_space<semaphore_mem>> -> memref<!tpu.dma_semaphore, #tpu.memory_space<semaphore_mem>>
    %dma_wait3A_108 = arith.constant 0 : i32
    %dma_wait3A_109 = arith.constant 0 : i32
    %dma_wait3A_110 = tpu.memref_slice %arg4[%dma_wait3A, %add3A, %dma_wait3A_108, %dma_wait3A_109] : memref<8x32x32x512xf32, #tpu.memory_space<hbm>> -> memref<1x1x32x512xf32, #tpu.memory_space<hbm>>
    %dma_wait3A_111 = tpu.memref_squeeze %dma_wait3A_110 : memref<1x1x32x512xf32, #tpu.memory_space<hbm>> -> memref<32x512xf32, #tpu.memory_space<hbm>>
    tpu.wait_dma2 semaphore(%dma_wait3A_107 : memref<!tpu.dma_semaphore, #tpu.memory_space<semaphore_mem>>) src(%arg6 : memref<32x512xf32, #tpu.memory_space<vmem>>) dst(%dma_wait3A_111 : memref<32x512xf32, #tpu.memory_space<hbm>>)
    %dma_wait3A_112 = arith.constant 1 : i32
    %dma_wait3A_113 = arith.constant 1 : i32
    %dma_wait3A_114 = arith.constant 0 : i32
    %dma_wait3A_115 = arith.constant 0 : i32
    %dma_wait3A_116 = tpu.memref_slice %arg4[%dma_wait3A_112, %add3A, %dma_wait3A_114, %dma_wait3A_115] : memref<8x32x32x512xf32, #tpu.memory_space<hbm>> -> memref<1x1x32x512xf32, #tpu.memory_space<hbm>>
    %dma_wait3A_117 = tpu.memref_squeeze %dma_wait3A_116 : memref<1x1x32x512xf32, #tpu.memory_space<hbm>> -> memref<32x512xf32, #tpu.memory_space<hbm>>
    %dma_wait3A_118 = tpu.memref_slice %arg7[%dma_wait3A_113] : memref<8x!tpu.dma_semaphore, #tpu.memory_space<semaphore_mem>> -> memref<1x!tpu.dma_semaphore, #tpu.memory_space<semaphore_mem>>
    %dma_wait3A_119 = tpu.memref_squeeze %dma_wait3A_118 : memref<1x!tpu.dma_semaphore, #tpu.memory_space<semaphore_mem>> -> memref<!tpu.dma_semaphore, #tpu.memory_space<semaphore_mem>>
    %dma_wait3A_120 = arith.constant 0 : i32
    %dma_wait3A_121 = arith.constant 0 : i32
    %dma_wait3A_122 = tpu.memref_slice %arg4[%dma_wait3A_112, %add3A, %dma_wait3A_120, %dma_wait3A_121] : memref<8x32x32x512xf32, #tpu.memory_space<hbm>> -> memref<1x1x32x512xf32, #tpu.memory_space<hbm>>
    %dma_wait3A_123 = tpu.memref_squeeze %dma_wait3A_122 : memref<1x1x32x512xf32, #tpu.memory_space<hbm>> -> memref<32x512xf32, #tpu.memory_space<hbm>>
    tpu.wait_dma2 semaphore(%dma_wait3A_119 : memref<!tpu.dma_semaphore, #tpu.memory_space<semaphore_mem>>) src(%arg6 : memref<32x512xf32, #tpu.memory_space<vmem>>) dst(%dma_wait3A_123 : memref<32x512xf32, #tpu.memory_space<hbm>>)
    %dma_wait3A_124 = arith.constant 2 : i32
    %dma_wait3A_125 = arith.constant 2 : i32
    %dma_wait3A_126 = arith.constant 0 : i32
    %dma_wait3A_127 = arith.constant 0 : i32
    %dma_wait3A_128 = tpu.memref_slice %arg4[%dma_wait3A_124, %add3A, %dma_wait3A_126, %dma_wait3A_127] : memref<8x32x32x512xf32, #tpu.memory_space<hbm>> -> memref<1x1x32x512xf32, #tpu.memory_space<hbm>>
    %dma_wait3A_129 = tpu.memref_squeeze %dma_wait3A_128 : memref<1x1x32x512xf32, #tpu.memory_space<hbm>> -> memref<32x512xf32, #tpu.memory_space<hbm>>
    %dma_wait3A_130 = tpu.memref_slice %arg7[%dma_wait3A_125] : memref<8x!tpu.dma_semaphore, #tpu.memory_space<semaphore_mem>> -> memref<1x!tpu.dma_semaphore, #tpu.memory_space<semaphore_mem>>
    %dma_wait3A_131 = tpu.memref_squeeze %dma_wait3A_130 : memref<1x!tpu.dma_semaphore, #tpu.memory_space<semaphore_mem>> -> memref<!tpu.dma_semaphore, #tpu.memory_space<semaphore_mem>>
    %dma_wait3A_132 = arith.constant 0 : i32
    %dma_wait3A_133 = arith.constant 0 : i32
    %dma_wait3A_134 = tpu.memref_slice %arg4[%dma_wait3A_124, %add3A, %dma_wait3A_132, %dma_wait3A_133] : memref<8x32x32x512xf32, #tpu.memory_space<hbm>> -> memref<1x1x32x512xf32, #tpu.memory_space<hbm>>
    %dma_wait3A_135 = tpu.memref_squeeze %dma_wait3A_134 : memref<1x1x32x512xf32, #tpu.memory_space<hbm>> -> memref<32x512xf32, #tpu.memory_space<hbm>>
    tpu.wait_dma2 semaphore(%dma_wait3A_131 : memref<!tpu.dma_semaphore, #tpu.memory_space<semaphore_mem>>) src(%arg6 : memref<32x512xf32, #tpu.memory_space<vmem>>) dst(%dma_wait3A_135 : memref<32x512xf32, #tpu.memory_space<hbm>>)
    %dma_wait3A_136 = arith.constant 3 : i32
    %dma_wait3A_137 = arith.constant 3 : i32
    %dma_wait3A_138 = arith.constant 0 : i32
    %dma_wait3A_139 = arith.constant 0 : i32
    %dma_wait3A_140 = tpu.memref_slice %arg4[%dma_wait3A_136, %add3A, %dma_wait3A_138, %dma_wait3A_139] : memref<8x32x32x512xf32, #tpu.memory_space<hbm>> -> memref<1x1x32x512xf32, #tpu.memory_space<hbm>>
    %dma_wait3A_141 = tpu.memref_squeeze %dma_wait3A_140 : memref<1x1x32x512xf32, #tpu.memory_space<hbm>> -> memref<32x512xf32, #tpu.memory_space<hbm>>
    %dma_wait3A_142 = tpu.memref_slice %arg7[%dma_wait3A_137] : memref<8x!tpu.dma_semaphore, #tpu.memory_space<semaphore_mem>> -> memref<1x!tpu.dma_semaphore, #tpu.memory_space<semaphore_mem>>
    %dma_wait3A_143 = tpu.memref_squeeze %dma_wait3A_142 : memref<1x!tpu.dma_semaphore, #tpu.memory_space<semaphore_mem>> -> memref<!tpu.dma_semaphore, #tpu.memory_space<semaphore_mem>>
    %dma_wait3A_144 = arith.constant 0 : i32
    %dma_wait3A_145 = arith.constant 0 : i32
    %dma_wait3A_146 = tpu.memref_slice %arg4[%dma_wait3A_136, %add3A, %dma_wait3A_144, %dma_wait3A_145] : memref<8x32x32x512xf32, #tpu.memory_space<hbm>> -> memref<1x1x32x512xf32, #tpu.memory_space<hbm>>
    %dma_wait3A_147 = tpu.memref_squeeze %dma_wait3A_146 : memref<1x1x32x512xf32, #tpu.memory_space<hbm>> -> memref<32x512xf32, #tpu.memory_space<hbm>>
    tpu.wait_dma2 semaphore(%dma_wait3A_143 : memref<!tpu.dma_semaphore, #tpu.memory_space<semaphore_mem>>) src(%arg6 : memref<32x512xf32, #tpu.memory_space<vmem>>) dst(%dma_wait3A_147 : memref<32x512xf32, #tpu.memory_space<hbm>>)
    %dma_wait3A_148 = arith.constant 4 : i32
    %dma_wait3A_149 = arith.constant 4 : i32
    %dma_wait3A_150 = arith.constant 0 : i32
    %dma_wait3A_151 = arith.constant 0 : i32
    %dma_wait3A_152 = tpu.memref_slice %arg4[%dma_wait3A_148, %add3A, %dma_wait3A_150, %dma_wait3A_151] : memref<8x32x32x512xf32, #tpu.memory_space<hbm>> -> memref<1x1x32x512xf32, #tpu.memory_space<hbm>>
    %dma_wait3A_153 = tpu.memref_squeeze %dma_wait3A_152 : memref<1x1x32x512xf32, #tpu.memory_space<hbm>> -> memref<32x512xf32, #tpu.memory_space<hbm>>
    %dma_wait3A_154 = tpu.memref_slice %arg7[%dma_wait3A_149] : memref<8x!tpu.dma_semaphore, #tpu.memory_space<semaphore_mem>> -> memref<1x!tpu.dma_semaphore, #tpu.memory_space<semaphore_mem>>
    %dma_wait3A_155 = tpu.memref_squeeze %dma_wait3A_154 : memref<1x!tpu.dma_semaphore, #tpu.memory_space<semaphore_mem>> -> memref<!tpu.dma_semaphore, #tpu.memory_space<semaphore_mem>>
    %dma_wait3A_156 = arith.constant 0 : i32
    %dma_wait3A_157 = arith.constant 0 : i32
    %dma_wait3A_158 = tpu.memref_slice %arg4[%dma_wait3A_148, %add3A, %dma_wait3A_156, %dma_wait3A_157] : memref<8x32x32x512xf32, #tpu.memory_space<hbm>> -> memref<1x1x32x512xf32, #tpu.memory_space<hbm>>
    %dma_wait3A_159 = tpu.memref_squeeze %dma_wait3A_158 : memref<1x1x32x512xf32, #tpu.memory_space<hbm>> -> memref<32x512xf32, #tpu.memory_space<hbm>>
    tpu.wait_dma2 semaphore(%dma_wait3A_155 : memref<!tpu.dma_semaphore, #tpu.memory_space<semaphore_mem>>) src(%arg6 : memref<32x512xf32, #tpu.memory_space<vmem>>) dst(%dma_wait3A_159 : memref<32x512xf32, #tpu.memory_space<hbm>>)
    %dma_wait3A_160 = arith.constant 5 : i32
    %dma_wait3A_161 = arith.constant 5 : i32
    %dma_wait3A_162 = arith.constant 0 : i32
    %dma_wait3A_163 = arith.constant 0 : i32
    %dma_wait3A_164 = tpu.memref_slice %arg4[%dma_wait3A_160, %add3A, %dma_wait3A_162, %dma_wait3A_163] : memref<8x32x32x512xf32, #tpu.memory_space<hbm>> -> memref<1x1x32x512xf32, #tpu.memory_space<hbm>>
    %dma_wait3A_165 = tpu.memref_squeeze %dma_wait3A_164 : memref<1x1x32x512xf32, #tpu.memory_space<hbm>> -> memref<32x512xf32, #tpu.memory_space<hbm>>
    %dma_wait3A_166 = tpu.memref_slice %arg7[%dma_wait3A_161] : memref<8x!tpu.dma_semaphore, #tpu.memory_space<semaphore_mem>> -> memref<1x!tpu.dma_semaphore, #tpu.memory_space<semaphore_mem>>
    %dma_wait3A_167 = tpu.memref_squeeze %dma_wait3A_166 : memref<1x!tpu.dma_semaphore, #tpu.memory_space<semaphore_mem>> -> memref<!tpu.dma_semaphore, #tpu.memory_space<semaphore_mem>>
    %dma_wait3A_168 = arith.constant 0 : i32
    %dma_wait3A_169 = arith.constant 0 : i32
    %dma_wait3A_170 = tpu.memref_slice %arg4[%dma_wait3A_160, %add3A, %dma_wait3A_168, %dma_wait3A_169] : memref<8x32x32x512xf32, #tpu.memory_space<hbm>> -> memref<1x1x32x512xf32, #tpu.memory_space<hbm>>
    %dma_wait3A_171 = tpu.memref_squeeze %dma_wait3A_170 : memref<1x1x32x512xf32, #tpu.memory_space<hbm>> -> memref<32x512xf32, #tpu.memory_space<hbm>>
    tpu.wait_dma2 semaphore(%dma_wait3A_167 : memref<!tpu.dma_semaphore, #tpu.memory_space<semaphore_mem>>) src(%arg6 : memref<32x512xf32, #tpu.memory_space<vmem>>) dst(%dma_wait3A_171 : memref<32x512xf32, #tpu.memory_space<hbm>>)
    %dma_wait3A_172 = arith.constant 6 : i32
    %dma_wait3A_173 = arith.constant 6 : i32
    %dma_wait3A_174 = arith.constant 0 : i32
    %dma_wait3A_175 = arith.constant 0 : i32
    %dma_wait3A_176 = tpu.memref_slice %arg4[%dma_wait3A_172, %add3A, %dma_wait3A_174, %dma_wait3A_175] : memref<8x32x32x512xf32, #tpu.memory_space<hbm>> -> memref<1x1x32x512xf32, #tpu.memory_space<hbm>>
    %dma_wait3A_177 = tpu.memref_squeeze %dma_wait3A_176 : memref<1x1x32x512xf32, #tpu.memory_space<hbm>> -> memref<32x512xf32, #tpu.memory_space<hbm>>
    %dma_wait3A_178 = tpu.memref_slice %arg7[%dma_wait3A_173] : memref<8x!tpu.dma_semaphore, #tpu.memory_space<semaphore_mem>> -> memref<1x!tpu.dma_semaphore, #tpu.memory_space<semaphore_mem>>
    %dma_wait3A_179 = tpu.memref_squeeze %dma_wait3A_178 : memref<1x!tpu.dma_semaphore, #tpu.memory_space<semaphore_mem>> -> memref<!tpu.dma_semaphore, #tpu.memory_space<semaphore_mem>>
    %dma_wait3A_180 = arith.constant 0 : i32
    %dma_wait3A_181 = arith.constant 0 : i32
    %dma_wait3A_182 = tpu.memref_slice %arg4[%dma_wait3A_172, %add3A, %dma_wait3A_180, %dma_wait3A_181] : memref<8x32x32x512xf32, #tpu.memory_space<hbm>> -> memref<1x1x32x512xf32, #tpu.memory_space<hbm>>
    %dma_wait3A_183 = tpu.memref_squeeze %dma_wait3A_182 : memref<1x1x32x512xf32, #tpu.memory_space<hbm>> -> memref<32x512xf32, #tpu.memory_space<hbm>>
    tpu.wait_dma2 semaphore(%dma_wait3A_179 : memref<!tpu.dma_semaphore, #tpu.memory_space<semaphore_mem>>) src(%arg6 : memref<32x512xf32, #tpu.memory_space<vmem>>) dst(%dma_wait3A_183 : memref<32x512xf32, #tpu.memory_space<hbm>>)
    %dma_wait3A_184 = arith.constant 7 : i32
    %dma_wait3A_185 = arith.constant 7 : i32
    %dma_wait3A_186 = arith.constant 0 : i32
    %dma_wait3A_187 = arith.constant 0 : i32
    %dma_wait3A_188 = tpu.memref_slice %arg4[%dma_wait3A_184, %add3A, %dma_wait3A_186, %dma_wait3A_187] : memref<8x32x32x512xf32, #tpu.memory_space<hbm>> -> memref<1x1x32x512xf32, #tpu.memory_space<hbm>>
    %dma_wait3A_189 = tpu.memref_squeeze %dma_wait3A_188 : memref<1x1x32x512xf32, #tpu.memory_space<hbm>> -> memref<32x512xf32, #tpu.memory_space<hbm>>
    %dma_wait3A_190 = tpu.memref_slice %arg7[%dma_wait3A_185] : memref<8x!tpu.dma_semaphore, #tpu.memory_space<semaphore_mem>> -> memref<1x!tpu.dma_semaphore, #tpu.memory_space<semaphore_mem>>
    %dma_wait3A_191 = tpu.memref_squeeze %dma_wait3A_190 : memref<1x!tpu.dma_semaphore, #tpu.memory_space<semaphore_mem>> -> memref<!tpu.dma_semaphore, #tpu.memory_space<semaphore_mem>>
    %dma_wait3A_192 = arith.constant 0 : i32
    %dma_wait3A_193 = arith.constant 0 : i32
    %dma_wait3A_194 = tpu.memref_slice %arg4[%dma_wait3A_184, %add3A, %dma_wait3A_192, %dma_wait3A_193] : memref<8x32x32x512xf32, #tpu.memory_space<hbm>> -> memref<1x1x32x512xf32, #tpu.memory_space<hbm>>
    %dma_wait3A_195 = tpu.memref_squeeze %dma_wait3A_194 : memref<1x1x32x512xf32, #tpu.memory_space<hbm>> -> memref<32x512xf32, #tpu.memory_space<hbm>>
    tpu.wait_dma2 semaphore(%dma_wait3A_191 : memref<!tpu.dma_semaphore, #tpu.memory_space<semaphore_mem>>) src(%arg6 : memref<32x512xf32, #tpu.memory_space<vmem>>) dst(%dma_wait3A_195 : memref<32x512xf32, #tpu.memory_space<hbm>>)
    return
  }
}

</mosaic_0001>

<sc_bundles>
// kernel: kernel.3.cloned.1.call-start
scs
__scs_entry_jumppad:
0x0: {  	(pc) =	sbr.rel $0x88, $3  }
0x1: {  	(tag) =	ssettag $0x0;
	lr =	simm.s32 $0x1  }
0x2: {  	[smem:$0x3F9F] =	sst lr;
	_ =	strace $0xD0000000  }
0x3: {  	_ = 	snop  }
0x4: {  	_ = 	snop  }
0x5: {  	_ = 	snop  }
0x6: {  	_ = 	snop  }
0x7: {  	_ = 	snop  }
__scs_overlays_trampoline_lowered:
0x8: {  	[smem:$0x3FAE] =	sst s0  }
0x9: {  	[smem:$0x3FAF] =	sst s1  }
0xa: {  	[smem:$0x3FB0] =	sst s2  }
0xb: {  	[smem:$0x3FB1] =	sst s3  }
0xc: {  	[smem:$0x3FB2] =	sst s4  }
0xd: {  	[smem:$0x3FB3] =	sst s5  }
0xe: {  	[smem:$0x3FB4] =	sst s6  }
0xf: {  	[smem:$0x3FB5] =	sst s7  }
0x10: {  	[smem:$0x3FB6] =	sst s8  }
0x11: {  	[smem:$0x3FB7] =	sst s9;
	s0 =	simm.s32 @!p0 $0x0  }
0x12: {  	s1 =	sld [smem:$0x3F9D];
	s0 =	simm.s32 @p0 $0x1  }
0x13: {  	[smem:$0x3FB8] =	sst s0;
	s0 =	simm.s32 @!p1 $0x0  }
0x14: {  	s2 =	sld [smem:$0x3F9C];
	s0 =	simm.s32 @p1 $0x1  }
0x15: {  	[smem:$0x3FB9] =	sst s0;
	s0 =	simm.s32 @!p2 $0x0  }
0x16: {  	s3 =	sld [smem:$0x3FDB];
	s0 =	simm.s32 @p2 $0x1  }
0x17: {  	s4 =	simm.s32 $0x1BF5;
	[smem:$0x3FBB] =	sst s0  }
0x18: {  	s0 =	sld [smem:$0x3F9E];
	_ =	swait.ge [sflag:s4], $0x0  }
0x19: {  	s7 =	sld [smem:$0x3F9F]  }
0x1a: {  	s8 =	sadd.s32 $0xFFFFE003, lr  }
0x1b: {  	s9 =	sadd.s32 $0xFFFFFEF7, lr;
	s5 =	simm.s32 $0xFFFFFFFF;
	p2 =	slt.u32 s8, $0xFFFFF086  }
0x1c: {  	p1 =	slt.u32 s9, $0xF7A;
	s5 =	simm.s32 @!p2 $0x0  }
0x1d: {  	s5 =	simm.s32 @p1 $0x1;
	p0 =	seq.s32 s7, s2  }
0x1e: {  	s7 =	smul.u32 @!p0 $0xF7A, s2;
	p2 =	seq.s32 @!p0 s5, $0x0  }
0x1f: {  	s9 =	smul.u32 $0xF7A, s1;
	s8 =	simm.s32 @!p0 $0x1BF5;
	p2 =	por !p2, p0  }
0x20: {  	[sflag:s8] =	ssyncset.s32 @!p0 $0xFFFFF086;
	s6 =	sadd.s32 @!p0 s3, s7;
	s7 =	simm.s32 @!p0 $0x108  }
0x21: {  	s3 =	sadd.s32 s3, s9;
	s6 =	sadd.s32 @!p0 $0x88, s6;
	s7 =	simm.s32 @p2 $0x1082  }
0x22: {  	[simem:s7], [sflag:s8] =	dma.local @!p0 [hbm:s6], $0xF7A  }
0x23: {  	s9 =	sor.u32 $0xD0000000, s2;
	s6 =	simm.s32 $0x108;
	_ =	swait.ge @!p0 [sflag:s8], $0x0  }
0x24: {  	s3 =	sadd.s32 $0x88, s3;
	s6 =	simm.s32 @!p1 $0x1082;
	[sflag:s4] =	ssyncset.s32 $0xFFFFF086  }
0x25: {  	[simem:s6], [sflag:s4] =	dma.local [hbm:s3], $0xF7A  }
0x26: {  	[smem:$0x3F9F] =	sst s1;
	(tag) =	ssettag s2;
	_ =	strace s9  }
0x27: {  	s1 =	sld [smem:$0x3FAF]  }
0x28: {  	s2 =	sld [smem:$0x3FB0]  }
0x29: {  	s4 =	sld [smem:$0x3FB2]  }
0x2a: {  	p0 =	seq.s32 s5, $0x0;
	s5 =	sld [smem:$0x3FB3]  }
0x2b: {  	s6 =	sld [smem:$0x3FB4]  }
0x2c: {  	s7 =	sld [smem:$0x3FB5]  }
0x2d: {  	s3 =	simm.s32 $0x108;
	s8 =	sld [smem:$0x3FB6]  }
0x2e: {  	s3 =	simm.s32 @!p0 $0x1082;
	s9 =	sld [smem:$0x3FB7]  }
0x2f: {  	lr =	sadd.s32 s0, s3;
	s0 =	sld [smem:$0x3FAE]  }
0x30: {  	s3 =	sld [smem:$0x3FB1]  }
0x31: {  	[smem:$0x3FBA] =	sst s10  }
0x32: {  	s10 =	sld [smem:$0x3FB8];
	_ =	sdelay $0x3  }
0x33: {  	p0 =	seq.s32 s10, $0x1;
	s10 =	sld [smem:$0x3FBA];
	_ =	sdelay $0x3  }
0x34: {  	[smem:$0x3FBA] =	sst s10  }
0x35: {  	s10 =	sld [smem:$0x3FB9];
	_ =	sdelay $0x3  }
0x36: {  	p1 =	seq.s32 s10, $0x1;
	s10 =	sld [smem:$0x3FBA];
	_ =	sdelay $0x3  }
0x37: {  	[smem:$0x3FBA] =	sst s10  }
0x38: {  	s10 =	sld [smem:$0x3FBB]  }
0x39: {  	_ = 	snop;
	(pc) =	sbr.ind lr, $3  }
0x3a: {  	_ = 	snop  }
0x3b: {  	_ = 	snop  }
0x3c: {  	p2 =	seq.s32 s10, $0x1;
	s10 =	sld [smem:$0x3FBA]  }
0x3d: {  	_ =	shalt  }
0x3e: {  	_ =	shalt  }
0x3f: {  	_ =	shalt  }
0x40: {  	_ =	shalt  }
0x41: {  	_ =	shalt  }
0x42: {  	_ =	shalt  }
0x43: {  	_ =	shalt  }
0x44: {  	_ =	shalt  }
0x45: {  	_ =	shalt  }
0x46: {  	_ =	shalt  }
0x47: {  	_ =	shalt  }
0x48: {  	_ =	shalt  }
0x49: {  	_ =	shalt  }
0x4a: {  	_ =	shalt  }
0x4b: {  	_ =	shalt  }
0x4c: {  	_ =	shalt  }
0x4d: {  	_ =	shalt  }
0x4e: {  	_ =	shalt  }
0x4f: {  	_ =	shalt  }
0x50: {  	_ =	shalt  }
0x51: {  	_ =	shalt  }
0x52: {  	_ =	shalt  }
0x53: {  	_ =	shalt  }
0x54: {  	_ =	shalt  }
0x55: {  	_ =	shalt  }
0x56: {  	_ =	shalt  }
0x57: {  	_ =	shalt  }
0x58: {  	_ =	shalt  }
0x59: {  	_ =	shalt  }
0x5a: {  	_ =	shalt  }
0x5b: {  	_ =	shalt  }
0x5c: {  	_ =	shalt  }
0x5d: {  	_ =	shalt  }
0x5e: {  	_ =	shalt  }
0x5f: {  	_ =	shalt  }
0x60: {  	_ =	shalt  }
0x61: {  	_ =	shalt  }
0x62: {  	_ =	shalt  }
0x63: {  	_ =	shalt  }
0x64: {  	_ =	shalt  }
0x65: {  	_ =	shalt  }
0x66: {  	_ =	shalt  }
0x67: {  	_ =	shalt  }
0x68: {  	_ =	shalt  }
0x69: {  	_ =	shalt  }
0x6a: {  	_ =	shalt  }
0x6b: {  	_ =	shalt  }
0x6c: {  	_ =	shalt  }
0x6d: {  	_ =	shalt  }
0x6e: {  	_ =	shalt  }
0x6f: {  	_ =	shalt  }
0x70: {  	_ =	shalt  }
0x71: {  	_ =	shalt  }
0x72: {  	_ =	shalt  }
0x73: {  	_ =	shalt  }
0x74: {  	_ =	shalt  }
0x75: {  	_ =	shalt  }
0x76: {  	_ =	shalt  }
0x77: {  	_ =	shalt  }
0x78: {  	_ =	shalt  }
0x79: {  	_ =	shalt  }
0x7a: {  	_ =	shalt  }
0x7b: {  	_ =	shalt  }
0x7c: {  	_ =	shalt  }
0x7d: {  	_ =	shalt  }
0x7e: {  	_ =	shalt  }
0x7f: {  	_ =	shalt  }
0x80: {  	_ =	shalt  }
0x81: {  	_ =	shalt  }
0x82: {  	_ =	shalt  }
0x83: {  	_ =	shalt  }
0x84: {  	_ =	shalt  }
0x85: {  	_ =	shalt  }
0x86: {  	_ =	shalt  }
0x87: {  	_ =	shalt  }
.Lfunc_end0:
.L_simem_size_0:
called_computation_lowered:
.L_overlay_start_0:
0x88: {  	s2 =	sld [smem:$0x3FD9]  }
0x89: {  	s3 =	sld [smem:$0x3FFE];
	_ =	sdelay $0x1  }
0x8a: {  	s1 =	srdreg.scid  }
0x8b: {  	s0 =	sand.u32 $0x1, s1  }
0x8c: {  	s18 =	sshll.u32 s0, $0xA;
	s2 =	sadd.s32 s3, s2  }
0x8d: {  	s2 =	sadd.s32 s2, s18  }
0x8e: {  	[smem:$0x3FC6] =	sst s2  }
0x8f: {  	_ = 	snop  }
0x90: {  	s2 =	sld [smem:$0x3FC9]  }
0x91: {  	s19 =	sld [smem:$0x3FC8]  }
0x92: {  	s4 =	sld [smem:$0x3FD0];
	(tm) =	ssettm $0x1  }
0x93: {  	s5 =	sld [smem:$0x3FFB];
	_ =	sdelay $0x3  }
0x94: {  	_ =	strace s5  }
0x95: {  	s5 =	sld [smem:$0x3FFC];
	_ =	sdelay $0x3  }
0x96: {  	_ =	strace s5  }
0x97: {  	s5 =	sld [smem:$0x3FFD];
	_ =	sdelay $0x3  }
0x98: {  	_ =	strace s5  }
0x99: {  	_ =	strace $0x8FFFFFFF  }
0x9a: {  	s20 =	sld [smem:$0x3FDB];
	_ =	sdelay $0x1  }
0x9b: {  	s6 =	simm.s32 $_scs_section_size  }
0x9c: {  	s7 =	simm.s32 $_size__tile_overlayer_lowered;
	s8 =	simm.s32 $_tile_overlayer_lowered  }
0x9d: {  	s23 =	simm.s32 $0x1BFF;
	s22 =	sshll.u32 s8, $0x1;
	s5 =	sadd.s32 s6, s20  }
0x9e: {  	s9 =	simm.s32 $0x0;
	s21 =	sshll.u32 s7, $0x1;
	s7 =	sadd.s32 s22, s5  }
0x9f: {  	[timem:s9], [sflag:s23] =	dma.local [hbm:s7], s21  }
0xa0: {  	_ =	swait.ge [sflag:s23], s21  }
0xa1: {  	s6 =	ssub.s32 $0x0, s21;
	[sflag:s23] =	ssyncset.done $0x0  }
0xa2: {  	[sflag:s23] =	ssyncadd.s32 s6;
	_ =	sdelay $0x1  }
0xa3: {  	s24 =	simm.s32 $0x1B8B  }
0xa4: {  	_ =	swait.ge [sflag:s24], $0x1  }
0xa5: {  	[sflag:s24] =	ssyncset.done $0x0  }
0xa6: {  	s25 =	simm.s32 $0x1B8E;
	[sflag:s24] =	ssyncadd.s32 $0xFFFFFFFF  }
0xa7: {  	s26 =	simm.s32 $execute0_lowered;
	[smem:$0x3FD2] =	sst s25  }
0xa8: {  	s6 =	sshll.u32 s26, $0x1;
	_ =	strace $0x80000046;
	[dreg:$0x1] =	wrdreg $0xFFFFFFFF  }
0xa9: {  	s28 =	simm.s32 $_size_execute0_lowered;
	s5 =	sadd.s32 s5, s6;
	[dreg:$0x0] =	wrdreg $0x0  }
0xaa: {  	s6 =	sshll.u32 s28, $0x1;
	[dreg:$0x2] =	wrdreg s5  }
0xab: {  	[dreg:$0x3] =	wrdreg s6  }
0xac: {  	[dreg:$0x4] =	wrdreg $0xC0  }
0xad: {  	_ =	task [dreg:s9], $0x5FFFF  }
0xae: {  	[dreg:$0x1] =	wrdreg $0xFFFFFFFF  }
0xaf: {  	[dreg:$0x0] =	wrdreg $0x60  }
0xb0: {  	[dreg:$0x2] =	wrdreg s19  }
0xb1: {  	[dreg:$0x3] =	wrdreg s2  }
0xb2: {  	[dreg:$0x4] =	wrdreg s4  }
0xb3: {  	[dreg:$0x5] =	wrdreg $0x9  }
0xb4: {  	_ =	task.clear_ibuf [dreg:s9], $0x6FFFF;
	_ =	strace $0x90000046  }
0xb5: {  	s29 =	simm.s32 $0x9;
	_ =	strace $0x80000048  }
0xb6: {  	_ =	swait.ge [sflag:s29], $0x1  }
0xb7: {  	[sflag:s29] =	ssyncadd.s32 $0xFFFFFFFF  }
0xb8: {  	_ =	strace $0x90000048  }
0xb9: {  	_ =	sfence  }
0xba: {  	s30 =	sld [smem:$0x0];
	_ =	sdelay $0x2  }
0xbb: {  	s31 =	sshll.u32 s1, $0xD;
	s1 =	sshrl.u32 s1, $0x2  }
0xbc: {  	s3 =	sand.u32 $0x4000, s31;
	s1 =	sadd.s32 s1, s30  }
0xbd: {  	s0 =	sor.u32 s3, s0;
	s1 =	sshll.u32 s1, $0x11  }
0xbe: {  	s0 =	sor.u32 s1, s0  }
0xbf: {  	s0 =	sadd.s32 $0x8F2B, s0  }
0xc0: {  	[sflag:s0] =	ssyncadd.remote.s32 $0x1  }
0xc1: {  	_ =	sfence.sel $0xFFFF  }
0xc2: {  	[dreg:$0x0] =	wrdreg $0xFFFFFFFF;
	(pc) =	sbr.abs _section_cstart, $3  }
0xc3: {  	[dreg:$0x1] =	wrdreg $0xFFFFFFFF  }
0xc4: {  	_ =	task.clear_ibuf [dreg:s9], $0x2FFFF;
	_ =	strace $0x9FFFFFFF  }
0xc5: {  	(tm) =	ssettm $0x7FFFFFFF  }
tec
execute0_lowered:
.L_overlay_start_1:
0x0: {  	(tag) =	ssettag $0x1  }
0x1: {  	s16 =	rddreg [dreg:$0x0]  }
0x2: {  	s0 =	rddreg [dreg:$0x1]  }
0x3: {  	s1 =	rddreg [dreg:$0x2]  }
0x4: {  	s2 =	simm.s32 $0x0;
	s3 =	srdreg.scid;
	s5 =	stileid.u32  }
0x5: {  	s17 =	simm.s32 $0x100;
	s21 =	simm.s32 $0x9;
	s23 =	simm.s32 $0x400  }
0x6: {  	s24 =	simm.s32 $0x1;
	s25 =	simm.s32 $0x2;
	s28 =	simm.s32 $0x4  }
0x7: {  	s29 =	simm.s32 $0x5;
	s30 =	simm.s32 $0x6;
	s31 =	simm.s32 $0x7  }
0x8: {  	[smem:$0x7FF] =	sst s2;
	s3 =	sand.u32 $0x1, s3;
	s14 =	sadd.s32 $0x100, s16  }
0x9: {  	s15 =	sadd.s32 $0x200, s16;
	s16 =	sadd.s32 $0x300, s16;
	s4 =	sshll.u32 s3, $0x4  }
0xa: {  	_ =	strace $0x80000047;
	s3 =	ssub.s32 $0x2, s3;
	s4 =	sor.u32 s5, s4  }
0xb: {  	s5 =	sshll.u32 s5, $0x4;
	s6 =	sshrl.u32 s3, $0x1;
	s7 =	sshll.u32 s4, $0x5  }
0xc: {  	s5 =	sand.u32 $0x70, s5;
	s26 =	sshll.u32 s4, $0xB;
	s3 =	ssub.s32 s3, s6  }
0xd: {  	s7 =	sand.u32 $0x300, s7;
	s0 =	sadd.s32 s0, s5;
	s5 =	sadd.s32 s1, s26  }
0xe: {  	s13 =	smax.u32 s3, $0x1;
	s26 =	simm.s32 $0x3;
	s3 =	simm.s32 $0x0  }
0xf: {  	s4 =	sadd.s32 s7, s0;
	s6 =	sadd.s32 $0x10000, s5;
	s7 =	sadd.s32 $0x20000, s5  }
0x10: {  	s8 =	sadd.s32 $0x30000, s5;
	s9 =	sadd.s32 $0x40000, s5;
	s10 =	sadd.s32 $0x50000, s5  }
0x11: {  	s11 =	sadd.s32 $0x60000, s5;
	s12 =	sadd.s32 $0x70000, s5;
	s0 =	simm.s32 $0x8  }
.LBB2_1:
0x12: {  	s1 =	rddreg [dreg:$0x0]  }
0x13: {  	[tilespmem:s17], [sflag:$0x9] =	stream.linear.gather [hbm4b:s1+s2], $0x800, $0x38;
	[tilespmem:$0x4100] =	vst v63  }
0x14: {  	s22 =	simm.s32 $0x1100  }
0x15: {  	[tilespmem:s22], [sflag:$0x9] =	stream.linear.gather [hbm4b:s14+s2], $0x800, $0x38;
	[tilespmem:$0x4100] =	vst v63  }
0x16: {  	s18 =	simm.s32 $0x2100  }
0x17: {  	[tilespmem:s18], [sflag:$0x9] =	stream.linear.gather [hbm4b:s15+s2], $0x800, $0x38;
	[tilespmem:$0x4100] =	vst v63  }
0x18: {  	s19 =	simm.s32 $0x3100  }
0x19: {  	[tilespmem:s19], [sflag:$0x9] =	stream.linear.gather [hbm4b:s16+s2], $0x800, $0x38;
	[tilespmem:$0x4100] =	vst v63  }
0x1a: {  	_ =	swait.ge [sflag:s21], $0x2000  }
0x1b: {  	[sflag:s21] =	ssyncset.done $0x0  }
0x1c: {  	s20 =	simm.s32 $0x80;
	[sflag:s21] =	ssyncadd.s32 $0xFFFFE000  }
0x1d: {  	[tilespmem:s2], [sflag:$0x9] =	stream.strided.gather [hbm4b:s4+s20], $0x100, s23, s20, $0x38;
	[tilespmem:$0x4100] =	vst v63  }
0x1e: {  	_ =	swait.ge [sflag:s21], $0x100  }
0x1f: {  	[sflag:s21] =	ssyncset.done $0x0  }
0x20: {  	[sflag:s21] =	ssyncadd.s32 $0xFFFFFF00  }
0x21: {  	v0 =	vld [tilespmem:$0x0];
	_ =	sdelay $0x2  }
0x22: {  	s22 =	sand.u32 $0x3000, s2;
	s18 =	sand.u32 $0x380, s2  }
0x23: {  	s1 =	sor.u32 s18, s22  }
0x24: {  	[tilespmem:s1+$0x900] =	vst v0  }
0x25: {  	v0 =	vld [tilespmem:$0x10];
	_ =	sdelay $0x4  }
0x26: {  	[tilespmem:s1+$0x910] =	vst v0  }
0x27: {  	v0 =	vld [tilespmem:$0x20];
	_ =	sdelay $0x4  }
0x28: {  	[tilespmem:s1+$0x920] =	vst v0  }
0x29: {  	v0 =	vld [tilespmem:$0x30];
	_ =	sdelay $0x4  }
0x2a: {  	[tilespmem:s1+$0x930] =	vst v0  }
0x2b: {  	v0 =	vld [tilespmem:$0x40];
	_ =	sdelay $0x4  }
0x2c: {  	[tilespmem:s1+$0x940] =	vst v0  }
0x2d: {  	v0 =	vld [tilespmem:$0x50];
	_ =	sdelay $0x4  }
0x2e: {  	[tilespmem:s1+$0x950] =	vst v0  }
0x2f: {  	v0 =	vld [tilespmem:$0x60];
	_ =	sdelay $0x4  }
0x30: {  	[tilespmem:s1+$0x960] =	vst v0  }
0x31: {  	v0 =	vld [tilespmem:$0x70];
	_ =	sdelay $0x4  }
0x32: {  	[tilespmem:s1+$0x970] =	vst v0  }
0x33: {  	v0 =	vld [tilespmem:$0x80];
	_ =	sdelay $0x4  }
0x34: {  	[tilespmem:s1+$0xD00] =	vst v0  }
0x35: {  	v0 =	vld [tilespmem:$0x90];
	_ =	sdelay $0x4  }
0x36: {  	[tilespmem:s1+$0xD10] =	vst v0  }
0x37: {  	v0 =	vld [tilespmem:$0xA0];
	_ =	sdelay $0x4  }
0x38: {  	[tilespmem:s1+$0xD20] =	vst v0  }
0x39: {  	v0 =	vld [tilespmem:$0xB0];
	_ =	sdelay $0x4  }
0x3a: {  	[tilespmem:s1+$0xD30] =	vst v0  }
0x3b: {  	v0 =	vld [tilespmem:$0xC0];
	_ =	sdelay $0x4  }
0x3c: {  	[tilespmem:s1+$0xD40] =	vst v0  }
0x3d: {  	v0 =	vld [tilespmem:$0xD0];
	_ =	sdelay $0x4  }
0x3e: {  	[tilespmem:s1+$0xD50] =	vst v0  }
0x3f: {  	v0 =	vld [tilespmem:$0xE0];
	_ =	sdelay $0x4  }
0x40: {  	[tilespmem:s1+$0xD60] =	vst v0  }
0x41: {  	v0 =	vld [tilespmem:$0xF0];
	_ =	sdelay $0x4  }
0x42: {  	[tilespmem:s1+$0xD70] =	vst v0  }
0x43: {  	s18 =	simm.s32 $0x0;
	s19 =	simm.s32 $0x400;
	s1 =	simm.s32 $0x200;
	v0 =	vld [tilespmem:$0x0]  }
.LBB2_2:
0x44: {  	p0 =	sne.s32 s19, $0x3E00  }
0x45: {  	s18 =	sadd.s32 $0x80, s18  }
0x46: {  	s20 =	sand.u32 $0x3000, s1;
	s1 =	smov.u32 s19;
	s22 =	sand.u32 $0x380, s18  }
0x47: {  	s20 =	sor.u32 s22, s20  }
0x48: {  	[tilespmem:s20+$0x900] =	vst v0  }
0x49: {  	v0 =	vld [tilespmem:$0x10];
	_ =	sdelay $0x4  }
0x4a: {  	[tilespmem:s20+$0x910] =	vst v0  }
0x4b: {  	v0 =	vld [tilespmem:$0x20];
	_ =	sdelay $0x4  }
0x4c: {  	[tilespmem:s20+$0x920] =	vst v0  }
0x4d: {  	v0 =	vld [tilespmem:$0x30];
	_ =	sdelay $0x4  }
0x4e: {  	[tilespmem:s20+$0x930] =	vst v0  }
0x4f: {  	v0 =	vld [tilespmem:$0x40];
	_ =	sdelay $0x4  }
0x50: {  	[tilespmem:s20+$0x940] =	vst v0  }
0x51: {  	v0 =	vld [tilespmem:$0x50];
	_ =	sdelay $0x4  }
0x52: {  	[tilespmem:s20+$0x950] =	vst v0  }
0x53: {  	v0 =	vld [tilespmem:$0x60];
	_ =	sdelay $0x4  }
0x54: {  	[tilespmem:s20+$0x960] =	vst v0  }
0x55: {  	v0 =	vld [tilespmem:$0x70];
	_ =	sdelay $0x4  }
0x56: {  	[tilespmem:s20+$0x970] =	vst v0  }
0x57: {  	v0 =	vld [tilespmem:$0x80];
	_ =	sdelay $0x4  }
0x58: {  	[tilespmem:s20+$0xD00] =	vst v0  }
0x59: {  	v0 =	vld [tilespmem:$0x90];
	_ =	sdelay $0x4  }
0x5a: {  	[tilespmem:s20+$0xD10] =	vst v0  }
0x5b: {  	v0 =	vld [tilespmem:$0xA0];
	_ =	sdelay $0x4  }
0x5c: {  	[tilespmem:s20+$0xD20] =	vst v0  }
0x5d: {  	v0 =	vld [tilespmem:$0xB0];
	_ =	sdelay $0x4  }
0x5e: {  	[tilespmem:s20+$0xD30] =	vst v0  }
0x5f: {  	v0 =	vld [tilespmem:$0xC0];
	_ =	sdelay $0x4  }
0x60: {  	[tilespmem:s20+$0xD40] =	vst v0  }
0x61: {  	v0 =	vld [tilespmem:$0xD0];
	_ =	sdelay $0x4  }
0x62: {  	[tilespmem:s20+$0xD50] =	vst v0  }
0x63: {  	v0 =	vld [tilespmem:$0xE0];
	_ =	sdelay $0x4  }
0x64: {  	[tilespmem:s20+$0xD60] =	vst v0  }
0x65: {  	v0 =	vld [tilespmem:$0xF0];
	_ =	sdelay $0x1  }
.Ltmp0:
0x66: {  	(pc) =	sbr.rel @p0 .LBB2_2-.Ltmp0, $3  }
0x67: {  	_ =	sdelay $0x1  }
0x68: {  	[tilespmem:s20+$0xD70] =	vst v0  }
0x69: {  	s19 =	sadd.s32 $0x200, s19;
	v0 =	vld [tilespmem:$0x0]  }
0x6a: {  	_ = 	snop  }
0x6b: {  	s18 =	sadd.s32 $0x80, s18  }
0x6c: {  	s1 =	sand.u32 $0x3000, s1;
	s18 =	sand.u32 $0x380, s18  }
0x6d: {  	s1 =	sor.u32 s18, s1  }
0x6e: {  	[tilespmem:s1+$0x900] =	vst v0  }
0x6f: {  	v0 =	vld [tilespmem:$0x10];
	_ =	sdelay $0x4  }
0x70: {  	[tilespmem:s1+$0x910] =	vst v0  }
0x71: {  	v0 =	vld [tilespmem:$0x20];
	_ =	sdelay $0x4  }
0x72: {  	[tilespmem:s1+$0x920] =	vst v0  }
0x73: {  	v0 =	vld [tilespmem:$0x30];
	_ =	sdelay $0x4  }
0x74: {  	[tilespmem:s1+$0x930] =	vst v0  }
0x75: {  	v0 =	vld [tilespmem:$0x40];
	_ =	sdelay $0x4  }
0x76: {  	[tilespmem:s1+$0x940] =	vst v0  }
0x77: {  	v0 =	vld [tilespmem:$0x50];
	_ =	sdelay $0x4  }
0x78: {  	[tilespmem:s1+$0x950] =	vst v0  }
0x79: {  	v0 =	vld [tilespmem:$0x60];
	_ =	sdelay $0x4  }
0x7a: {  	[tilespmem:s1+$0x960] =	vst v0  }
0x7b: {  	v0 =	vld [tilespmem:$0x70];
	_ =	sdelay $0x4  }
0x7c: {  	[tilespmem:s1+$0x970] =	vst v0  }
0x7d: {  	v0 =	vld [tilespmem:$0x80];
	_ =	sdelay $0x4  }
0x7e: {  	[tilespmem:s1+$0xD00] =	vst v0  }
0x7f: {  	v0 =	vld [tilespmem:$0x90];
	_ =	sdelay $0x4  }
0x80: {  	[tilespmem:s1+$0xD10] =	vst v0  }
0x81: {  	v0 =	vld [tilespmem:$0xA0];
	_ =	sdelay $0x4  }
0x82: {  	[tilespmem:s1+$0xD20] =	vst v0  }
0x83: {  	v0 =	vld [tilespmem:$0xB0];
	_ =	sdelay $0x4  }
0x84: {  	[tilespmem:s1+$0xD30] =	vst v0  }
0x85: {  	v0 =	vld [tilespmem:$0xC0];
	_ =	sdelay $0x4  }
0x86: {  	[tilespmem:s1+$0xD40] =	vst v0  }
0x87: {  	v0 =	vld [tilespmem:$0xD0];
	_ =	sdelay $0x4  }
0x88: {  	[tilespmem:s1+$0xD50] =	vst v0  }
0x89: {  	v0 =	vld [tilespmem:$0xE0];
	_ =	sdelay $0x4  }
0x8a: {  	[tilespmem:s1+$0xD60] =	vst v0  }
0x8b: {  	v0 =	vld [tilespmem:$0xF0];
	_ =	sdelay $0x4  }
0x8c: {  	[tilespmem:s1+$0xD70] =	vst v0  }
0x8d: {  	[hbm4b:s5+s2] =	stream.linear.scatter [tilespmem:s17], [sflag:$0x1], $0x4000, $0x38;
	[tilespmem:$0x4100] =	vst v63  }
0x8e: {  	_ = 	snop  }
0x8f: {  	[hbm4b:s6+s2] =	stream.linear.scatter [tilespmem:s17], [sflag:$0x2], $0x4000, $0x38;
	[tilespmem:$0x4100] =	vst v63  }
0x90: {  	_ = 	snop  }
0x91: {  	[hbm4b:s7+s2] =	stream.linear.scatter [tilespmem:s17], [sflag:$0x3], $0x4000, $0x38;
	[tilespmem:$0x4100] =	vst v63  }
0x92: {  	_ = 	snop  }
0x93: {  	[hbm4b:s8+s2] =	stream.linear.scatter [tilespmem:s17], [sflag:$0x4], $0x4000, $0x38;
	[tilespmem:$0x4100] =	vst v63  }
0x94: {  	_ = 	snop  }
0x95: {  	[hbm4b:s9+s2] =	stream.linear.scatter [tilespmem:s17], [sflag:$0x5], $0x4000, $0x38;
	[tilespmem:$0x4100] =	vst v63  }
0x96: {  	_ = 	snop  }
0x97: {  	[hbm4b:s10+s2] =	stream.linear.scatter [tilespmem:s17], [sflag:$0x6], $0x4000, $0x38;
	[tilespmem:$0x4100] =	vst v63  }
0x98: {  	_ = 	snop  }
0x99: {  	[hbm4b:s11+s2] =	stream.linear.scatter [tilespmem:s17], [sflag:$0x7], $0x4000, $0x38;
	[tilespmem:$0x4100] =	vst v63  }
0x9a: {  	_ = 	snop  }
0x9b: {  	[hbm4b:s12+s2] =	stream.linear.scatter [tilespmem:s17], [sflag:$0x8], $0x4000, $0x38;
	[tilespmem:$0x4100] =	vst v63  }
0x9c: {  	_ =	swait.ge [sflag:s24], $0x4000  }
0x9d: {  	[sflag:s24] =	ssyncset.done $0x0  }
0x9e: {  	[sflag:s24] =	ssyncadd.s32 $0xFFFFC000  }
0x9f: {  	_ =	swait.ge [sflag:s25], $0x4000  }
0xa0: {  	[sflag:s25] =	ssyncset.done $0x0  }
0xa1: {  	[sflag:s25] =	ssyncadd.s32 $0xFFFFC000  }
0xa2: {  	_ =	swait.ge [sflag:s26], $0x4000  }
0xa3: {  	[sflag:s26] =	ssyncset.done $0x0  }
0xa4: {  	[sflag:s26] =	ssyncadd.s32 $0xFFFFC000  }
0xa5: {  	_ =	swait.ge [sflag:s28], $0x4000  }
0xa6: {  	[sflag:s28] =	ssyncset.done $0x0  }
0xa7: {  	[sflag:s28] =	ssyncadd.s32 $0xFFFFC000  }
0xa8: {  	_ =	swait.ge [sflag:s29], $0x4000  }
0xa9: {  	[sflag:s29] =	ssyncset.done $0x0  }
0xaa: {  	[sflag:s29] =	ssyncadd.s32 $0xFFFFC000  }
0xab: {  	_ =	swait.ge [sflag:s30], $0x4000  }
0xac: {  	[sflag:s30] =	ssyncset.done $0x0  }
0xad: {  	s3 =	sadd.s32 $0x1, s3;
	[sflag:s30] =	ssyncadd.s32 $0xFFFFC000  }
0xae: {  	p0 =	sne.s32 s3, s13;
	_ =	swait.ge [sflag:s31], $0x4000  }
.Ltmp1:
0xaf: {  	[sflag:s31] =	ssyncset.done $0x0;
	(pc) =	sbr.rel @p0 .LBB2_1-.Ltmp1, $4  }
0xb0: {  	[sflag:s31] =	ssyncadd.s32 $0xFFFFC000  }
0xb1: {  	_ =	swait.ge [sflag:s0], $0x4000  }
0xb2: {  	[sflag:s0] =	ssyncset.done $0x0  }
0xb3: {  	[sflag:s0] =	ssyncadd.s32 $0xFFFFC000  }
0xb4: {  	_ =	sfence.sel $0x180000  }
0xb5: {  	[bflag:$0x0] =	sbarrier.arrive $0xFFFF  }
0xb6: {  	_ =	strace $0x90000047  }
0xb7: {  	s0 =	stileid.u32;
	[bflag:$0x2] =	sbarrier.arrive $0xFFFF  }
0xb8: {  	p0 =	sne.s32 s0, $0x0;
	s0 =	rddreg [dreg:$0x3]  }
0xb9: {  	s0 =	sadd.s32 @!p0 $0x100000, s0  }
0xba: {  	[sflag:s0] =	ssyncadd.tile.s32 @!p0 $0x1;
	_ =	shalt  }
.Lfunc_end2:
_tile_overlayer_lowered:
.L_overlay_start_2:
0xbb: {  	(tag) =	ssettag $0x2  }
0xbc: {  	s0 =	rddreg [dreg:$0x0];
	s2 =	stileid.u32  }
0xbd: {  	s1 =	rddreg [dreg:$0x1];
	p0 =	sne.s32 s2, $0x0  }
0xbe: {  	s3 =	rddreg [dreg:$0x2];
	[bflag:$0x3] =	sbarrier.arrive $0xFFFF;
	s2 =	simm.s32 @!p0 $0x1C09  }
0xbf: {  	[timem:s3], [sflag:s2] =	dma.local @!p0 [hbm:s0], s1  }
0xc0: {  	s0 =	simm.s32 @!p0 $0x9  }
0xc1: {  	_ =	swait.ge @!p0 [sflag:s0], s1  }
0xc2: {  	s1 =	ssub.s32 @!p0 $0x0, s1;
	[sflag:s0] =	ssyncset.done @!p0 $0x0  }
0xc3: {  	[sflag:s0] =	ssyncadd.s32 @!p0 s1  }
0xc4: {  	[bflag:$0x3] =	sbarrier.arrive $0xFFFF  }
0xc5: {  	_ =	shalt  }

</sc_bundles>
